<compile_context>
chip_gen: v7x
topology: tpu7x:2x2x1
jax: 0.10.2.dev20260603
libtpu: 0.0.44.dev20260713+nightly
codegen_flags: <defaults>
</compile_context>

<pallas_src>
import functools

import jax
import jax.numpy as jnp
from jax import lax
from jax.experimental import pallas as pl
from jax.experimental.pallas import tpu as pltpu
from jax.experimental.pallas import tpu_sc as plsc

_CHUNK = 32
_NBUF = 3
_LOOK = _NBUF - 2


def _sc_body(batch, rows_per_w, n_chunks, n_cores,
             table_hbm, out_hbm, *scratch):
    bufs = scratch[:_NBUF]
    rsems = scratch[_NBUF:2 * _NBUF]
    wsems = scratch[2 * _NBUF:]
    wid = lax.axis_index("s") * n_cores + lax.axis_index("c")
    base = wid * rows_per_w

    reads = [None] * _NBUF
    writes = [[] for _ in range(_NBUF)]
    for c in range(min(_LOOK, n_chunks)):
        reads[c % _NBUF] = pltpu.async_copy(
            table_hbm.at[pl.ds(base + c * _CHUNK, _CHUNK)], bufs[c % _NBUF], rsems[c % _NBUF])
    for c in range(n_chunks):
        slot = c % _NBUF
        nc = c + _LOOK
        if nc < n_chunks:
            slot_n = nc % _NBUF
            for h in writes[slot_n]:
                h.wait()
            writes[slot_n] = []
            reads[slot_n] = pltpu.async_copy(
                table_hbm.at[pl.ds(base + nc * _CHUNK, _CHUNK)], bufs[slot_n], rsems[slot_n])
        reads[slot].wait()
        lo = base + c * _CHUNK
        for b in range(batch):
            writes[slot].append(
                pltpu.async_copy(bufs[slot], out_hbm.at[b, pl.ds(lo, _CHUNK)], wsems[slot]))
    for lst in writes:
        for h in lst:
            h.wait()


def kernel(x, position_embeddings):
    batch = x.shape[0]
    seq_len = x.shape[1]
    n_rows, dim = position_embeddings.shape
    info = plsc.get_sparse_core_info()
    n_workers = info.num_cores * info.num_subcores
    rows_per_w = seq_len // n_workers
    n_chunks = rows_per_w // _CHUNK
    mesh = plsc.VectorSubcoreMesh(core_axis_name="c", subcore_axis_name="s")
    body = functools.partial(_sc_body, batch, rows_per_w, n_chunks, info.num_cores)
    run = pl.kernel(
        body,
        out_type=jax.ShapeDtypeStruct((batch, seq_len, dim), position_embeddings.dtype),
        mesh=mesh,
        scratch_types=(
            [pltpu.VMEM((_CHUNK, dim), jnp.float32) for _ in range(_NBUF)]
            + [pltpu.SemaphoreType.DMA for _ in range(2 * _NBUF)]
        ),
    )
    return run(position_embeddings)

# --- scband reference (transcript-rebuilt; emitter-appended) ---
"""Pipeline reference for scband-learnable-positional-encoding-4982162063856 (READ-ONLY COPY).

The authoritative reference and input builder live on the scoring server;
editing this copy changes nothing except your own understanding.
"""

import jax, jax.numpy as jnp
import numpy as np

MAX_SEQ_LENGTH = 8192
EMBEDDING_DIM = 1024


def setup_inputs(seed: int = 0) -> dict:
    key = jax.random.key(seed)
    k1, k2 = jax.random.split(key)
    x = jax.random.randint(k1, (4, 8192), 0, MAX_SEQ_LENGTH, dtype=jnp.int64 if jax.config.jax_enable_x64 else jnp.int32)
    # learned positional embedding table, default nn.Embedding init ~ N(0, 1)
    position_embeddings = jax.random.normal(k2, (MAX_SEQ_LENGTH, EMBEDDING_DIM), dtype=jnp.float32)
    return {"x": x, "position_embeddings": position_embeddings}


def reference(x, position_embeddings):
    batch_size = x.shape[0]
    seq_length = x.shape[1]
    # position = arange(seq_len).unsqueeze(0).repeat(batch, 1)
    position = jnp.broadcast_to(jnp.arange(seq_length)[None, :], (batch_size, seq_length))
    # embedding lookup: gather rows of the table
    pos_embeddings = jnp.take(position_embeddings, position, axis=0)
    return pos_embeddings

if __name__ == "__main__":
    import jax
    _d = setup_inputs()
    print(jax.jit(kernel)(*tuple(_d.values())))

</pallas_src>

<mosaic_0001>
#map = affine_map<(d0, d1) -> (0, 0)>
#map1 = affine_map<(d0, d1) -> (0, 0, 0)>
module attributes {stable_mosaic.version = 14 : i64} {
  func.func @_sc_body(%arg0: i32, %arg1: i32, %arg2: memref<8192x1024xf32, #tpu.memory_space<hbm>>, %arg3: memref<4x8192x1024xf32, #tpu.memory_space<hbm>>, %arg4: memref<32x1024xf32, #tpu.memory_space<vmem>>, %arg5: memref<32x1024xf32, #tpu.memory_space<vmem>>, %arg6: memref<32x1024xf32, #tpu.memory_space<vmem>>, %arg7: memref<!tpu.dma_semaphore, #tpu.memory_space<semaphore_mem>>, %arg8: memref<!tpu.dma_semaphore, #tpu.memory_space<semaphore_mem>>, %arg9: memref<!tpu.dma_semaphore, #tpu.memory_space<semaphore_mem>>, %arg10: memref<!tpu.dma_semaphore, #tpu.memory_space<semaphore_mem>>, %arg11: memref<!tpu.dma_semaphore, #tpu.memory_space<semaphore_mem>>, %arg12: memref<!tpu.dma_semaphore, #tpu.memory_space<semaphore_mem>>) attributes {dimension_semantics = [#tpu.dimension_semantics<core_parallel>, #tpu.dimension_semantics<subcore_parallel>], iteration_bounds = array<i64: 2, 16>, scalar_prefetch = 0 : i64, scratch_operands = 9 : i64, tpu.core_type = #tpu.core_type<sc_vector_subcore>, window_params = [{transform_indices = #map}, {transform_indices = #map1}]} {
    %mul3A = arith.constant 2 : i32
    %mul3A_0 = arith.muli %arg1, %mul3A : i32
    %add3A = arith.addi %mul3A_0, %arg0 : i32
    %mul3A_1 = arith.constant 256 : i32
    %mul3A_2 = arith.muli %add3A, %mul3A_1 : i32
    %add3A_3 = arith.constant 0 : i32
    %add3A_4 = arith.addi %mul3A_2, %add3A_3 : i32
    %dma_start3A = arith.constant 0 : i32
    %dma_start3A_5 = tpu.memref_slice %arg2[%add3A_4, %dma_start3A] : memref<8192x1024xf32, #tpu.memory_space<hbm>> -> memref<32x1024xf32, #tpu.memory_space<hbm>>
    %dma_start3A_6 = arith.constant 0 : i32
    %dma_start3A_7 = tpu.memref_slice %arg2[%add3A_4, %dma_start3A_6] : memref<8192x1024xf32, #tpu.memory_space<hbm>> -> memref<32x1024xf32, #tpu.memory_space<hbm>>
    tpu.enqueue_dma source(%dma_start3A_7 : memref<32x1024xf32, #tpu.memory_space<hbm>>) target(%arg4 : memref<32x1024xf32, #tpu.memory_space<vmem>>) target_semaphore(%arg7 : memref<!tpu.dma_semaphore, #tpu.memory_space<semaphore_mem>>)
    %add3A_8 = arith.constant 32 : i32
    %add3A_9 = arith.addi %mul3A_2, %add3A_8 : i32
    %dma_start3A_10 = arith.constant 0 : i32
    %dma_start3A_11 = tpu.memref_slice %arg2[%add3A_9, %dma_start3A_10] : memref<8192x1024xf32, #tpu.memory_space<hbm>> -> memref<32x1024xf32, #tpu.memory_space<hbm>>
    %dma_start3A_12 = arith.constant 0 : i32
    %dma_start3A_13 = tpu.memref_slice %arg2[%add3A_9, %dma_start3A_12] : memref<8192x1024xf32, #tpu.memory_space<hbm>> -> memref<32x1024xf32, #tpu.memory_space<hbm>>
    tpu.enqueue_dma source(%dma_start3A_13 : memref<32x1024xf32, #tpu.memory_space<hbm>>) target(%arg5 : memref<32x1024xf32, #tpu.memory_space<vmem>>) target_semaphore(%arg8 : memref<!tpu.dma_semaphore, #tpu.memory_space<semaphore_mem>>)
    %dma_wait3A = arith.constant 0 : i32
    %dma_wait3A_14 = tpu.memref_slice %arg2[%add3A_4, %dma_wait3A] : memref<8192x1024xf32, #tpu.memory_space<hbm>> -> memref<32x1024xf32, #tpu.memory_space<hbm>>
    %dma_wait3A_15 = arith.constant 0 : i32
    %dma_wait3A_16 = tpu.memref_slice %arg2[%add3A_4, %dma_wait3A_15] : memref<8192x1024xf32, #tpu.memory_space<hbm>> -> memref<32x1024xf32, #tpu.memory_space<hbm>>
    tpu.wait_dma2 semaphore(%arg7 : memref<!tpu.dma_semaphore, #tpu.memory_space<semaphore_mem>>) src(%dma_wait3A_16 : memref<32x1024xf32, #tpu.memory_space<hbm>>) dst(%arg4 : memref<32x1024xf32, #tpu.memory_space<vmem>>)
    %add3A_17 = arith.constant 0 : i32
    %add3A_18 = arith.addi %mul3A_2, %add3A_17 : i32
    %dma_start3A_19 = arith.constant 0 : i32
    %dma_start3A_20 = arith.constant 0 : i32
    %dma_start3A_21 = tpu.memref_slice %arg3[%dma_start3A_19, %add3A_18, %dma_start3A_20] : memref<4x8192x1024xf32, #tpu.memory_space<hbm>> -> memref<1x32x1024xf32, #tpu.memory_space<hbm>>
    %dma_start3A_22 = tpu.memref_squeeze %dma_start3A_21 : memref<1x32x1024xf32, #tpu.memory_space<hbm>> -> memref<32x1024xf32, #tpu.memory_space<hbm>>
    %dma_start3A_23 = arith.constant 0 : i32
    %dma_start3A_24 = tpu.memref_slice %arg3[%dma_start3A_19, %add3A_18, %dma_start3A_23] : memref<4x8192x1024xf32, #tpu.memory_space<hbm>> -> memref<1x32x1024xf32, #tpu.memory_space<hbm>>
    %dma_start3A_25 = tpu.memref_squeeze %dma_start3A_24 : memref<1x32x1024xf32, #tpu.memory_space<hbm>> -> memref<32x1024xf32, #tpu.memory_space<hbm>>
    tpu.enqueue_dma source(%arg4 : memref<32x1024xf32, #tpu.memory_space<vmem>>) target(%dma_start3A_25 : memref<32x1024xf32, #tpu.memory_space<hbm>>) target_semaphore(%arg10 : memref<!tpu.dma_semaphore, #tpu.memory_space<semaphore_mem>>)
    %dma_start3A_26 = arith.constant 1 : i32
    %dma_start3A_27 = arith.constant 0 : i32
    %dma_start3A_28 = tpu.memref_slice %arg3[%dma_start3A_26, %add3A_18, %dma_start3A_27] : memref<4x8192x1024xf32, #tpu.memory_space<hbm>> -> memref<1x32x1024xf32, #tpu.memory_space<hbm>>
    %dma_start3A_29 = tpu.memref_squeeze %dma_start3A_28 : memref<1x32x1024xf32, #tpu.memory_space<hbm>> -> memref<32x1024xf32, #tpu.memory_space<hbm>>
    %dma_start3A_30 = arith.constant 0 : i32
    %dma_start3A_31 = tpu.memref_slice %arg3[%dma_start3A_26, %add3A_18, %dma_start3A_30] : memref<4x8192x1024xf32, #tpu.memory_space<hbm>> -> memref<1x32x1024xf32, #tpu.memory_space<hbm>>
    %dma_start3A_32 = tpu.memref_squeeze %dma_start3A_31 : memref<1x32x1024xf32, #tpu.memory_space<hbm>> -> memref<32x1024xf32, #tpu.memory_space<hbm>>
    tpu.enqueue_dma source(%arg4 : memref<32x1024xf32, #tpu.memory_space<vmem>>) target(%dma_start3A_32 : memref<32x1024xf32, #tpu.memory_space<hbm>>) target_semaphore(%arg10 : memref<!tpu.dma_semaphore, #tpu.memory_space<semaphore_mem>>)
    %dma_start3A_33 = arith.constant 2 : i32
    %dma_start3A_34 = arith.constant 0 : i32
    %dma_start3A_35 = tpu.memref_slice %arg3[%dma_start3A_33, %add3A_18, %dma_start3A_34] : memref<4x8192x1024xf32, #tpu.memory_space<hbm>> -> memref<1x32x1024xf32, #tpu.memory_space<hbm>>
    %dma_start3A_36 = tpu.memref_squeeze %dma_start3A_35 : memref<1x32x1024xf32, #tpu.memory_space<hbm>> -> memref<32x1024xf32, #tpu.memory_space<hbm>>
    %dma_start3A_37 = arith.constant 0 : i32
    %dma_start3A_38 = tpu.memref_slice %arg3[%dma_start3A_33, %add3A_18, %dma_start3A_37] : memref<4x8192x1024xf32, #tpu.memory_space<hbm>> -> memref<1x32x1024xf32, #tpu.memory_space<hbm>>
    %dma_start3A_39 = tpu.memref_squeeze %dma_start3A_38 : memref<1x32x1024xf32, #tpu.memory_space<hbm>> -> memref<32x1024xf32, #tpu.memory_space<hbm>>
    tpu.enqueue_dma source(%arg4 : memref<32x1024xf32, #tpu.memory_space<vmem>>) target(%dma_start3A_39 : memref<32x1024xf32, #tpu.memory_space<hbm>>) target_semaphore(%arg10 : memref<!tpu.dma_semaphore, #tpu.memory_space<semaphore_mem>>)
    %dma_start3A_40 = arith.constant 3 : i32
    %dma_start3A_41 = arith.constant 0 : i32
    %dma_start3A_42 = tpu.memref_slice %arg3[%dma_start3A_40, %add3A_18, %dma_start3A_41] : memref<4x8192x1024xf32, #tpu.memory_space<hbm>> -> memref<1x32x1024xf32, #tpu.memory_space<hbm>>
    %dma_start3A_43 = tpu.memref_squeeze %dma_start3A_42 : memref<1x32x1024xf32, #tpu.memory_space<hbm>> -> memref<32x1024xf32, #tpu.memory_space<hbm>>
    %dma_start3A_44 = arith.constant 0 : i32
    %dma_start3A_45 = tpu.memref_slice %arg3[%dma_start3A_40, %add3A_18, %dma_start3A_44] : memref<4x8192x1024xf32, #tpu.memory_space<hbm>> -> memref<1x32x1024xf32, #tpu.memory_space<hbm>>
    %dma_start3A_46 = tpu.memref_squeeze %dma_start3A_45 : memref<1x32x1024xf32, #tpu.memory_space<hbm>> -> memref<32x1024xf32, #tpu.memory_space<hbm>>
    tpu.enqueue_dma source(%arg4 : memref<32x1024xf32, #tpu.memory_space<vmem>>) target(%dma_start3A_46 : memref<32x1024xf32, #tpu.memory_space<hbm>>) target_semaphore(%arg10 : memref<!tpu.dma_semaphore, #tpu.memory_space<semaphore_mem>>)
    %add3A_47 = arith.constant 64 : i32
    %add3A_48 = arith.addi %mul3A_2, %add3A_47 : i32
    %dma_start3A_49 = arith.constant 0 : i32
    %dma_start3A_50 = tpu.memref_slice %arg2[%add3A_48, %dma_start3A_49] : memref<8192x1024xf32, #tpu.memory_space<hbm>> -> memref<32x1024xf32, #tpu.memory_space<hbm>>
    %dma_start3A_51 = arith.constant 0 : i32
    %dma_start3A_52 = tpu.memref_slice %arg2[%add3A_48, %dma_start3A_51] : memref<8192x1024xf32, #tpu.memory_space<hbm>> -> memref<32x1024xf32, #tpu.memory_space<hbm>>
    tpu.enqueue_dma source(%dma_start3A_52 : memref<32x1024xf32, #tpu.memory_space<hbm>>) target(%arg6 : memref<32x1024xf32, #tpu.memory_space<vmem>>) target_semaphore(%arg9 : memref<!tpu.dma_semaphore, #tpu.memory_space<semaphore_mem>>)
    %dma_wait3A_53 = arith.constant 0 : i32
    %dma_wait3A_54 = tpu.memref_slice %arg2[%add3A_9, %dma_wait3A_53] : memref<8192x1024xf32, #tpu.memory_space<hbm>> -> memref<32x1024xf32, #tpu.memory_space<hbm>>
    %dma_wait3A_55 = arith.constant 0 : i32
    %dma_wait3A_56 = tpu.memref_slice %arg2[%add3A_9, %dma_wait3A_55] : memref<8192x1024xf32, #tpu.memory_space<hbm>> -> memref<32x1024xf32, #tpu.memory_space<hbm>>
    tpu.wait_dma2 semaphore(%arg8 : memref<!tpu.dma_semaphore, #tpu.memory_space<semaphore_mem>>) src(%dma_wait3A_56 : memref<32x1024xf32, #tpu.memory_space<hbm>>) dst(%arg5 : memref<32x1024xf32, #tpu.memory_space<vmem>>)
    %add3A_57 = arith.constant 32 : i32
    %add3A_58 = arith.addi %mul3A_2, %add3A_57 : i32
    %dma_start3A_59 = arith.constant 0 : i32
    %dma_start3A_60 = arith.constant 0 : i32
    %dma_start3A_61 = tpu.memref_slice %arg3[%dma_start3A_59, %add3A_58, %dma_start3A_60] : memref<4x8192x1024xf32, #tpu.memory_space<hbm>> -> memref<1x32x1024xf32, #tpu.memory_space<hbm>>
    %dma_start3A_62 = tpu.memref_squeeze %dma_start3A_61 : memref<1x32x1024xf32, #tpu.memory_space<hbm>> -> memref<32x1024xf32, #tpu.memory_space<hbm>>
    %dma_start3A_63 = arith.constant 0 : i32
    %dma_start3A_64 = tpu.memref_slice %arg3[%dma_start3A_59, %add3A_58, %dma_start3A_63] : memref<4x8192x1024xf32, #tpu.memory_space<hbm>> -> memref<1x32x1024xf32, #tpu.memory_space<hbm>>
    %dma_start3A_65 = tpu.memref_squeeze %dma_start3A_64 : memref<1x32x1024xf32, #tpu.memory_space<hbm>> -> memref<32x1024xf32, #tpu.memory_space<hbm>>
    tpu.enqueue_dma source(%arg5 : memref<32x1024xf32, #tpu.memory_space<vmem>>) target(%dma_start3A_65 : memref<32x1024xf32, #tpu.memory_space<hbm>>) target_semaphore(%arg11 : memref<!tpu.dma_semaphore, #tpu.memory_space<semaphore_mem>>)
    %dma_start3A_66 = arith.constant 1 : i32
    %dma_start3A_67 = arith.constant 0 : i32
    %dma_start3A_68 = tpu.memref_slice %arg3[%dma_start3A_66, %add3A_58, %dma_start3A_67] : memref<4x8192x1024xf32, #tpu.memory_space<hbm>> -> memref<1x32x1024xf32, #tpu.memory_space<hbm>>
    %dma_start3A_69 = tpu.memref_squeeze %dma_start3A_68 : memref<1x32x1024xf32, #tpu.memory_space<hbm>> -> memref<32x1024xf32, #tpu.memory_space<hbm>>
    %dma_start3A_70 = arith.constant 0 : i32
    %dma_start3A_71 = tpu.memref_slice %arg3[%dma_start3A_66, %add3A_58, %dma_start3A_70] : memref<4x8192x1024xf32, #tpu.memory_space<hbm>> -> memref<1x32x1024xf32, #tpu.memory_space<hbm>>
    %dma_start3A_72 = tpu.memref_squeeze %dma_start3A_71 : memref<1x32x1024xf32, #tpu.memory_space<hbm>> -> memref<32x1024xf32, #tpu.memory_space<hbm>>
    tpu.enqueue_dma source(%arg5 : memref<32x1024xf32, #tpu.memory_space<vmem>>) target(%dma_start3A_72 : memref<32x1024xf32, #tpu.memory_space<hbm>>) target_semaphore(%arg11 : memref<!tpu.dma_semaphore, #tpu.memory_space<semaphore_mem>>)
    %dma_start3A_73 = arith.constant 2 : i32
    %dma_start3A_74 = arith.constant 0 : i32
    %dma_start3A_75 = tpu.memref_slice %arg3[%dma_start3A_73, %add3A_58, %dma_start3A_74] : memref<4x8192x1024xf32, #tpu.memory_space<hbm>> -> memref<1x32x1024xf32, #tpu.memory_space<hbm>>
    %dma_start3A_76 = tpu.memref_squeeze %dma_start3A_75 : memref<1x32x1024xf32, #tpu.memory_space<hbm>> -> memref<32x1024xf32, #tpu.memory_space<hbm>>
    %dma_start3A_77 = arith.constant 0 : i32
    %dma_start3A_78 = tpu.memref_slice %arg3[%dma_start3A_73, %add3A_58, %dma_start3A_77] : memref<4x8192x1024xf32, #tpu.memory_space<hbm>> -> memref<1x32x1024xf32, #tpu.memory_space<hbm>>
    %dma_start3A_79 = tpu.memref_squeeze %dma_start3A_78 : memref<1x32x1024xf32, #tpu.memory_space<hbm>> -> memref<32x1024xf32, #tpu.memory_space<hbm>>
    tpu.enqueue_dma source(%arg5 : memref<32x1024xf32, #tpu.memory_space<vmem>>) target(%dma_start3A_79 : memref<32x1024xf32, #tpu.memory_space<hbm>>) target_semaphore(%arg11 : memref<!tpu.dma_semaphore, #tpu.memory_space<semaphore_mem>>)
    %dma_start3A_80 = arith.constant 3 : i32
    %dma_start3A_81 = arith.constant 0 : i32
    %dma_start3A_82 = tpu.memref_slice %arg3[%dma_start3A_80, %add3A_58, %dma_start3A_81] : memref<4x8192x1024xf32, #tpu.memory_space<hbm>> -> memref<1x32x1024xf32, #tpu.memory_space<hbm>>
    %dma_start3A_83 = tpu.memref_squeeze %dma_start3A_82 : memref<1x32x1024xf32, #tpu.memory_space<hbm>> -> memref<32x1024xf32, #tpu.memory_space<hbm>>
    %dma_start3A_84 = arith.constant 0 : i32
    %dma_start3A_85 = tpu.memref_slice %arg3[%dma_start3A_80, %add3A_58, %dma_start3A_84] : memref<4x8192x1024xf32, #tpu.memory_space<hbm>> -> memref<1x32x1024xf32, #tpu.memory_space<hbm>>
    %dma_start3A_86 = tpu.memref_squeeze %dma_start3A_85 : memref<1x32x1024xf32, #tpu.memory_space<hbm>> -> memref<32x1024xf32, #tpu.memory_space<hbm>>
    tpu.enqueue_dma source(%arg5 : memref<32x1024xf32, #tpu.memory_space<vmem>>) target(%dma_start3A_86 : memref<32x1024xf32, #tpu.memory_space<hbm>>) target_semaphore(%arg11 : memref<!tpu.dma_semaphore, #tpu.memory_space<semaphore_mem>>)
    %dma_wait3A_87 = arith.constant 0 : i32
    %dma_wait3A_88 = arith.constant 0 : i32
    %dma_wait3A_89 = tpu.memref_slice %arg3[%dma_wait3A_87, %add3A_18, %dma_wait3A_88] : memref<4x8192x1024xf32, #tpu.memory_space<hbm>> -> memref<1x32x1024xf32, #tpu.memory_space<hbm>>
    %dma_wait3A_90 = tpu.memref_squeeze %dma_wait3A_89 : memref<1x32x1024xf32, #tpu.memory_space<hbm>> -> memref<32x1024xf32, #tpu.memory_space<hbm>>
    %dma_wait3A_91 = arith.constant 0 : i32
    %dma_wait3A_92 = tpu.memref_slice %arg3[%dma_wait3A_87, %add3A_18, %dma_wait3A_91] : memref<4x8192x1024xf32, #tpu.memory_space<hbm>> -> memref<1x32x1024xf32, #tpu.memory_space<hbm>>
    %dma_wait3A_93 = tpu.memref_squeeze %dma_wait3A_92 : memref<1x32x1024xf32, #tpu.memory_space<hbm>> -> memref<32x1024xf32, #tpu.memory_space<hbm>>
    tpu.wait_dma2 semaphore(%arg10 : memref<!tpu.dma_semaphore, #tpu.memory_space<semaphore_mem>>) src(%arg4 : memref<32x1024xf32, #tpu.memory_space<vmem>>) dst(%dma_wait3A_93 : memref<32x1024xf32, #tpu.memory_space<hbm>>)
    %dma_wait3A_94 = arith.constant 1 : i32
    %dma_wait3A_95 = arith.constant 0 : i32
    %dma_wait3A_96 = tpu.memref_slice %arg3[%dma_wait3A_94, %add3A_18, %dma_wait3A_95] : memref<4x8192x1024xf32, #tpu.memory_space<hbm>> -> memref<1x32x1024xf32, #tpu.memory_space<hbm>>
    %dma_wait3A_97 = tpu.memref_squeeze %dma_wait3A_96 : memref<1x32x1024xf32, #tpu.memory_space<hbm>> -> memref<32x1024xf32, #tpu.memory_space<hbm>>
    %dma_wait3A_98 = arith.constant 0 : i32
    %dma_wait3A_99 = tpu.memref_slice %arg3[%dma_wait3A_94, %add3A_18, %dma_wait3A_98] : memref<4x8192x1024xf32, #tpu.memory_space<hbm>> -> memref<1x32x1024xf32, #tpu.memory_space<hbm>>
    %dma_wait3A_100 = tpu.memref_squeeze %dma_wait3A_99 : memref<1x32x1024xf32, #tpu.memory_space<hbm>> -> memref<32x1024xf32, #tpu.memory_space<hbm>>
    tpu.wait_dma2 semaphore(%arg10 : memref<!tpu.dma_semaphore, #tpu.memory_space<semaphore_mem>>) src(%arg4 : memref<32x1024xf32, #tpu.memory_space<vmem>>) dst(%dma_wait3A_100 : memref<32x1024xf32, #tpu.memory_space<hbm>>)
    %dma_wait3A_101 = arith.constant 2 : i32
    %dma_wait3A_102 = arith.constant 0 : i32
    %dma_wait3A_103 = tpu.memref_slice %arg3[%dma_wait3A_101, %add3A_18, %dma_wait3A_102] : memref<4x8192x1024xf32, #tpu.memory_space<hbm>> -> memref<1x32x1024xf32, #tpu.memory_space<hbm>>
    %dma_wait3A_104 = tpu.memref_squeeze %dma_wait3A_103 : memref<1x32x1024xf32, #tpu.memory_space<hbm>> -> memref<32x1024xf32, #tpu.memory_space<hbm>>
    %dma_wait3A_105 = arith.constant 0 : i32
    %dma_wait3A_106 = tpu.memref_slice %arg3[%dma_wait3A_101, %add3A_18, %dma_wait3A_105] : memref<4x8192x1024xf32, #tpu.memory_space<hbm>> -> memref<1x32x1024xf32, #tpu.memory_space<hbm>>
    %dma_wait3A_107 = tpu.memref_squeeze %dma_wait3A_106 : memref<1x32x1024xf32, #tpu.memory_space<hbm>> -> memref<32x1024xf32, #tpu.memory_space<hbm>>
    tpu.wait_dma2 semaphore(%arg10 : memref<!tpu.dma_semaphore, #tpu.memory_space<semaphore_mem>>) src(%arg4 : memref<32x1024xf32, #tpu.memory_space<vmem>>) dst(%dma_wait3A_107 : memref<32x1024xf32, #tpu.memory_space<hbm>>)
    %dma_wait3A_108 = arith.constant 3 : i32
    %dma_wait3A_109 = arith.constant 0 : i32
    %dma_wait3A_110 = tpu.memref_slice %arg3[%dma_wait3A_108, %add3A_18, %dma_wait3A_109] : memref<4x8192x1024xf32, #tpu.memory_space<hbm>> -> memref<1x32x1024xf32, #tpu.memory_space<hbm>>
    %dma_wait3A_111 = tpu.memref_squeeze %dma_wait3A_110 : memref<1x32x1024xf32, #tpu.memory_space<hbm>> -> memref<32x1024xf32, #tpu.memory_space<hbm>>
    %dma_wait3A_112 = arith.constant 0 : i32
    %dma_wait3A_113 = tpu.memref_slice %arg3[%dma_wait3A_108, %add3A_18, %dma_wait3A_112] : memref<4x8192x1024xf32, #tpu.memory_space<hbm>> -> memref<1x32x1024xf32, #tpu.memory_space<hbm>>
    %dma_wait3A_114 = tpu.memref_squeeze %dma_wait3A_113 : memref<1x32x1024xf32, #tpu.memory_space<hbm>> -> memref<32x1024xf32, #tpu.memory_space<hbm>>
    tpu.wait_dma2 semaphore(%arg10 : memref<!tpu.dma_semaphore, #tpu.memory_space<semaphore_mem>>) src(%arg4 : memref<32x1024xf32, #tpu.memory_space<vmem>>) dst(%dma_wait3A_114 : memref<32x1024xf32, #tpu.memory_space<hbm>>)
    %add3A_115 = arith.constant 96 : i32
    %add3A_116 = arith.addi %mul3A_2, %add3A_115 : i32
    %dma_start3A_117 = arith.constant 0 : i32
    %dma_start3A_118 = tpu.memref_slice %arg2[%add3A_116, %dma_start3A_117] : memref<8192x1024xf32, #tpu.memory_space<hbm>> -> memref<32x1024xf32, #tpu.memory_space<hbm>>
    %dma_start3A_119 = arith.constant 0 : i32
    %dma_start3A_120 = tpu.memref_slice %arg2[%add3A_116, %dma_start3A_119] : memref<8192x1024xf32, #tpu.memory_space<hbm>> -> memref<32x1024xf32, #tpu.memory_space<hbm>>
    tpu.enqueue_dma source(%dma_start3A_120 : memref<32x1024xf32, #tpu.memory_space<hbm>>) target(%arg4 : memref<32x1024xf32, #tpu.memory_space<vmem>>) target_semaphore(%arg7 : memref<!tpu.dma_semaphore, #tpu.memory_space<semaphore_mem>>)
    %dma_wait3A_121 = arith.constant 0 : i32
    %dma_wait3A_122 = tpu.memref_slice %arg2[%add3A_48, %dma_wait3A_121] : memref<8192x1024xf32, #tpu.memory_space<hbm>> -> memref<32x1024xf32, #tpu.memory_space<hbm>>
    %dma_wait3A_123 = arith.constant 0 : i32
    %dma_wait3A_124 = tpu.memref_slice %arg2[%add3A_48, %dma_wait3A_123] : memref<8192x1024xf32, #tpu.memory_space<hbm>> -> memref<32x1024xf32, #tpu.memory_space<hbm>>
    tpu.wait_dma2 semaphore(%arg9 : memref<!tpu.dma_semaphore, #tpu.memory_space<semaphore_mem>>) src(%dma_wait3A_124 : memref<32x1024xf32, #tpu.memory_space<hbm>>) dst(%arg6 : memref<32x1024xf32, #tpu.memory_space<vmem>>)
    %add3A_125 = arith.constant 64 : i32
    %add3A_126 = arith.addi %mul3A_2, %add3A_125 : i32
    %dma_start3A_127 = arith.constant 0 : i32
    %dma_start3A_128 = arith.constant 0 : i32
    %dma_start3A_129 = tpu.memref_slice %arg3[%dma_start3A_127, %add3A_126, %dma_start3A_128] : memref<4x8192x1024xf32, #tpu.memory_space<hbm>> -> memref<1x32x1024xf32, #tpu.memory_space<hbm>>
    %dma_start3A_130 = tpu.memref_squeeze %dma_start3A_129 : memref<1x32x1024xf32, #tpu.memory_space<hbm>> -> memref<32x1024xf32, #tpu.memory_space<hbm>>
    %dma_start3A_131 = arith.constant 0 : i32
    %dma_start3A_132 = tpu.memref_slice %arg3[%dma_start3A_127, %add3A_126, %dma_start3A_131] : memref<4x8192x1024xf32, #tpu.memory_space<hbm>> -> memref<1x32x1024xf32, #tpu.memory_space<hbm>>
    %dma_start3A_133 = tpu.memref_squeeze %dma_start3A_132 : memref<1x32x1024xf32, #tpu.memory_space<hbm>> -> memref<32x1024xf32, #tpu.memory_space<hbm>>
    tpu.enqueue_dma source(%arg6 : memref<32x1024xf32, #tpu.memory_space<vmem>>) target(%dma_start3A_133 : memref<32x1024xf32, #tpu.memory_space<hbm>>) target_semaphore(%arg12 : memref<!tpu.dma_semaphore, #tpu.memory_space<semaphore_mem>>)
    %dma_start3A_134 = arith.constant 1 : i32
    %dma_start3A_135 = arith.constant 0 : i32
    %dma_start3A_136 = tpu.memref_slice %arg3[%dma_start3A_134, %add3A_126, %dma_start3A_135] : memref<4x8192x1024xf32, #tpu.memory_space<hbm>> -> memref<1x32x1024xf32, #tpu.memory_space<hbm>>
    %dma_start3A_137 = tpu.memref_squeeze %dma_start3A_136 : memref<1x32x1024xf32, #tpu.memory_space<hbm>> -> memref<32x1024xf32, #tpu.memory_space<hbm>>
    %dma_start3A_138 = arith.constant 0 : i32
    %dma_start3A_139 = tpu.memref_slice %arg3[%dma_start3A_134, %add3A_126, %dma_start3A_138] : memref<4x8192x1024xf32, #tpu.memory_space<hbm>> -> memref<1x32x1024xf32, #tpu.memory_space<hbm>>
    %dma_start3A_140 = tpu.memref_squeeze %dma_start3A_139 : memref<1x32x1024xf32, #tpu.memory_space<hbm>> -> memref<32x1024xf32, #tpu.memory_space<hbm>>
    tpu.enqueue_dma source(%arg6 : memref<32x1024xf32, #tpu.memory_space<vmem>>) target(%dma_start3A_140 : memref<32x1024xf32, #tpu.memory_space<hbm>>) target_semaphore(%arg12 : memref<!tpu.dma_semaphore, #tpu.memory_space<semaphore_mem>>)
    %dma_start3A_141 = arith.constant 2 : i32
    %dma_start3A_142 = arith.constant 0 : i32
    %dma_start3A_143 = tpu.memref_slice %arg3[%dma_start3A_141, %add3A_126, %dma_start3A_142] : memref<4x8192x1024xf32, #tpu.memory_space<hbm>> -> memref<1x32x1024xf32, #tpu.memory_space<hbm>>
    %dma_start3A_144 = tpu.memref_squeeze %dma_start3A_143 : memref<1x32x1024xf32, #tpu.memory_space<hbm>> -> memref<32x1024xf32, #tpu.memory_space<hbm>>
    %dma_start3A_145 = arith.constant 0 : i32
    %dma_start3A_146 = tpu.memref_slice %arg3[%dma_start3A_141, %add3A_126, %dma_start3A_145] : memref<4x8192x1024xf32, #tpu.memory_space<hbm>> -> memref<1x32x1024xf32, #tpu.memory_space<hbm>>
    %dma_start3A_147 = tpu.memref_squeeze %dma_start3A_146 : memref<1x32x1024xf32, #tpu.memory_space<hbm>> -> memref<32x1024xf32, #tpu.memory_space<hbm>>
    tpu.enqueue_dma source(%arg6 : memref<32x1024xf32, #tpu.memory_space<vmem>>) target(%dma_start3A_147 : memref<32x1024xf32, #tpu.memory_space<hbm>>) target_semaphore(%arg12 : memref<!tpu.dma_semaphore, #tpu.memory_space<semaphore_mem>>)
    %dma_start3A_148 = arith.constant 3 : i32
    %dma_start3A_149 = arith.constant 0 : i32
    %dma_start3A_150 = tpu.memref_slice %arg3[%dma_start3A_148, %add3A_126, %dma_start3A_149] : memref<4x8192x1024xf32, #tpu.memory_space<hbm>> -> memref<1x32x1024xf32, #tpu.memory_space<hbm>>
    %dma_start3A_151 = tpu.memref_squeeze %dma_start3A_150 : memref<1x32x1024xf32, #tpu.memory_space<hbm>> -> memref<32x1024xf32, #tpu.memory_space<hbm>>
    %dma_start3A_152 = arith.constant 0 : i32
    %dma_start3A_153 = tpu.memref_slice %arg3[%dma_start3A_148, %add3A_126, %dma_start3A_152] : memref<4x8192x1024xf32, #tpu.memory_space<hbm>> -> memref<1x32x1024xf32, #tpu.memory_space<hbm>>
    %dma_start3A_154 = tpu.memref_squeeze %dma_start3A_153 : memref<1x32x1024xf32, #tpu.memory_space<hbm>> -> memref<32x1024xf32, #tpu.memory_space<hbm>>
    tpu.enqueue_dma source(%arg6 : memref<32x1024xf32, #tpu.memory_space<vmem>>) target(%dma_start3A_154 : memref<32x1024xf32, #tpu.memory_space<hbm>>) target_semaphore(%arg12 : memref<!tpu.dma_semaphore, #tpu.memory_space<semaphore_mem>>)
    %dma_wait3A_155 = arith.constant 0 : i32
    %dma_wait3A_156 = arith.constant 0 : i32
    %dma_wait3A_157 = tpu.memref_slice %arg3[%dma_wait3A_155, %add3A_58, %dma_wait3A_156] : memref<4x8192x1024xf32, #tpu.memory_space<hbm>> -> memref<1x32x1024xf32, #tpu.memory_space<hbm>>
    %dma_wait3A_158 = tpu.memref_squeeze %dma_wait3A_157 : memref<1x32x1024xf32, #tpu.memory_space<hbm>> -> memref<32x1024xf32, #tpu.memory_space<hbm>>
    %dma_wait3A_159 = arith.constant 0 : i32
    %dma_wait3A_160 = tpu.memref_slice %arg3[%dma_wait3A_155, %add3A_58, %dma_wait3A_159] : memref<4x8192x1024xf32, #tpu.memory_space<hbm>> -> memref<1x32x1024xf32, #tpu.memory_space<hbm>>
    %dma_wait3A_161 = tpu.memref_squeeze %dma_wait3A_160 : memref<1x32x1024xf32, #tpu.memory_space<hbm>> -> memref<32x1024xf32, #tpu.memory_space<hbm>>
    tpu.wait_dma2 semaphore(%arg11 : memref<!tpu.dma_semaphore, #tpu.memory_space<semaphore_mem>>) src(%arg5 : memref<32x1024xf32, #tpu.memory_space<vmem>>) dst(%dma_wait3A_161 : memref<32x1024xf32, #tpu.memory_space<hbm>>)
    %dma_wait3A_162 = arith.constant 1 : i32
    %dma_wait3A_163 = arith.constant 0 : i32
    %dma_wait3A_164 = tpu.memref_slice %arg3[%dma_wait3A_162, %add3A_58, %dma_wait3A_163] : memref<4x8192x1024xf32, #tpu.memory_space<hbm>> -> memref<1x32x1024xf32, #tpu.memory_space<hbm>>
    %dma_wait3A_165 = tpu.memref_squeeze %dma_wait3A_164 : memref<1x32x1024xf32, #tpu.memory_space<hbm>> -> memref<32x1024xf32, #tpu.memory_space<hbm>>
    %dma_wait3A_166 = arith.constant 0 : i32
    %dma_wait3A_167 = tpu.memref_slice %arg3[%dma_wait3A_162, %add3A_58, %dma_wait3A_166] : memref<4x8192x1024xf32, #tpu.memory_space<hbm>> -> memref<1x32x1024xf32, #tpu.memory_space<hbm>>
    %dma_wait3A_168 = tpu.memref_squeeze %dma_wait3A_167 : memref<1x32x1024xf32, #tpu.memory_space<hbm>> -> memref<32x1024xf32, #tpu.memory_space<hbm>>
    tpu.wait_dma2 semaphore(%arg11 : memref<!tpu.dma_semaphore, #tpu.memory_space<semaphore_mem>>) src(%arg5 : memref<32x1024xf32, #tpu.memory_space<vmem>>) dst(%dma_wait3A_168 : memref<32x1024xf32, #tpu.memory_space<hbm>>)
    %dma_wait3A_169 = arith.constant 2 : i32
    %dma_wait3A_170 = arith.constant 0 : i32
    %dma_wait3A_171 = tpu.memref_slice %arg3[%dma_wait3A_169, %add3A_58, %dma_wait3A_170] : memref<4x8192x1024xf32, #tpu.memory_space<hbm>> -> memref<1x32x1024xf32, #tpu.memory_space<hbm>>
    %dma_wait3A_172 = tpu.memref_squeeze %dma_wait3A_171 : memref<1x32x1024xf32, #tpu.memory_space<hbm>> -> memref<32x1024xf32, #tpu.memory_space<hbm>>
    %dma_wait3A_173 = arith.constant 0 : i32
    %dma_wait3A_174 = tpu.memref_slice %arg3[%dma_wait3A_169, %add3A_58, %dma_wait3A_173] : memref<4x8192x1024xf32, #tpu.memory_space<hbm>> -> memref<1x32x1024xf32, #tpu.memory_space<hbm>>
    %dma_wait3A_175 = tpu.memref_squeeze %dma_wait3A_174 : memref<1x32x1024xf32, #tpu.memory_space<hbm>> -> memref<32x1024xf32, #tpu.memory_space<hbm>>
    tpu.wait_dma2 semaphore(%arg11 : memref<!tpu.dma_semaphore, #tpu.memory_space<semaphore_mem>>) src(%arg5 : memref<32x1024xf32, #tpu.memory_space<vmem>>) dst(%dma_wait3A_175 : memref<32x1024xf32, #tpu.memory_space<hbm>>)
    %dma_wait3A_176 = arith.constant 3 : i32
    %dma_wait3A_177 = arith.constant 0 : i32
    %dma_wait3A_178 = tpu.memref_slice %arg3[%dma_wait3A_176, %add3A_58, %dma_wait3A_177] : memref<4x8192x1024xf32, #tpu.memory_space<hbm>> -> memref<1x32x1024xf32, #tpu.memory_space<hbm>>
    %dma_wait3A_179 = tpu.memref_squeeze %dma_wait3A_178 : memref<1x32x1024xf32, #tpu.memory_space<hbm>> -> memref<32x1024xf32, #tpu.memory_space<hbm>>
    %dma_wait3A_180 = arith.constant 0 : i32
    %dma_wait3A_181 = tpu.memref_slice %arg3[%dma_wait3A_176, %add3A_58, %dma_wait3A_180] : memref<4x8192x1024xf32, #tpu.memory_space<hbm>> -> memref<1x32x1024xf32, #tpu.memory_space<hbm>>
    %dma_wait3A_182 = tpu.memref_squeeze %dma_wait3A_181 : memref<1x32x1024xf32, #tpu.memory_space<hbm>> -> memref<32x1024xf32, #tpu.memory_space<hbm>>
    tpu.wait_dma2 semaphore(%arg11 : memref<!tpu.dma_semaphore, #tpu.memory_space<semaphore_mem>>) src(%arg5 : memref<32x1024xf32, #tpu.memory_space<vmem>>) dst(%dma_wait3A_182 : memref<32x1024xf32, #tpu.memory_space<hbm>>)
    %add3A_183 = arith.constant 128 : i32
    %add3A_184 = arith.addi %mul3A_2, %add3A_183 : i32
    %dma_start3A_185 = arith.constant 0 : i32
    %dma_start3A_186 = tpu.memref_slice %arg2[%add3A_184, %dma_start3A_185] : memref<8192x1024xf32, #tpu.memory_space<hbm>> -> memref<32x1024xf32, #tpu.memory_space<hbm>>
    %dma_start3A_187 = arith.constant 0 : i32
    %dma_start3A_188 = tpu.memref_slice %arg2[%add3A_184, %dma_start3A_187] : memref<8192x1024xf32, #tpu.memory_space<hbm>> -> memref<32x1024xf32, #tpu.memory_space<hbm>>
    tpu.enqueue_dma source(%dma_start3A_188 : memref<32x1024xf32, #tpu.memory_space<hbm>>) target(%arg5 : memref<32x1024xf32, #tpu.memory_space<vmem>>) target_semaphore(%arg8 : memref<!tpu.dma_semaphore, #tpu.memory_space<semaphore_mem>>)
    %dma_wait3A_189 = arith.constant 0 : i32
    %dma_wait3A_190 = tpu.memref_slice %arg2[%add3A_116, %dma_wait3A_189] : memref<8192x1024xf32, #tpu.memory_space<hbm>> -> memref<32x1024xf32, #tpu.memory_space<hbm>>
    %dma_wait3A_191 = arith.constant 0 : i32
    %dma_wait3A_192 = tpu.memref_slice %arg2[%add3A_116, %dma_wait3A_191] : memref<8192x1024xf32, #tpu.memory_space<hbm>> -> memref<32x1024xf32, #tpu.memory_space<hbm>>
    tpu.wait_dma2 semaphore(%arg7 : memref<!tpu.dma_semaphore, #tpu.memory_space<semaphore_mem>>) src(%dma_wait3A_192 : memref<32x1024xf32, #tpu.memory_space<hbm>>) dst(%arg4 : memref<32x1024xf32, #tpu.memory_space<vmem>>)
    %add3A_193 = arith.constant 96 : i32
    %add3A_194 = arith.addi %mul3A_2, %add3A_193 : i32
    %dma_start3A_195 = arith.constant 0 : i32
    %dma_start3A_196 = arith.constant 0 : i32
    %dma_start3A_197 = tpu.memref_slice %arg3[%dma_start3A_195, %add3A_194, %dma_start3A_196] : memref<4x8192x1024xf32, #tpu.memory_space<hbm>> -> memref<1x32x1024xf32, #tpu.memory_space<hbm>>
    %dma_start3A_198 = tpu.memref_squeeze %dma_start3A_197 : memref<1x32x1024xf32, #tpu.memory_space<hbm>> -> memref<32x1024xf32, #tpu.memory_space<hbm>>
    %dma_start3A_199 = arith.constant 0 : i32
    %dma_start3A_200 = tpu.memref_slice %arg3[%dma_start3A_195, %add3A_194, %dma_start3A_199] : memref<4x8192x1024xf32, #tpu.memory_space<hbm>> -> memref<1x32x1024xf32, #tpu.memory_space<hbm>>
    %dma_start3A_201 = tpu.memref_squeeze %dma_start3A_200 : memref<1x32x1024xf32, #tpu.memory_space<hbm>> -> memref<32x1024xf32, #tpu.memory_space<hbm>>
    tpu.enqueue_dma source(%arg4 : memref<32x1024xf32, #tpu.memory_space<vmem>>) target(%dma_start3A_201 : memref<32x1024xf32, #tpu.memory_space<hbm>>) target_semaphore(%arg10 : memref<!tpu.dma_semaphore, #tpu.memory_space<semaphore_mem>>)
    %dma_start3A_202 = arith.constant 1 : i32
    %dma_start3A_203 = arith.constant 0 : i32
    %dma_start3A_204 = tpu.memref_slice %arg3[%dma_start3A_202, %add3A_194, %dma_start3A_203] : memref<4x8192x1024xf32, #tpu.memory_space<hbm>> -> memref<1x32x1024xf32, #tpu.memory_space<hbm>>
    %dma_start3A_205 = tpu.memref_squeeze %dma_start3A_204 : memref<1x32x1024xf32, #tpu.memory_space<hbm>> -> memref<32x1024xf32, #tpu.memory_space<hbm>>
    %dma_start3A_206 = arith.constant 0 : i32
    %dma_start3A_207 = tpu.memref_slice %arg3[%dma_start3A_202, %add3A_194, %dma_start3A_206] : memref<4x8192x1024xf32, #tpu.memory_space<hbm>> -> memref<1x32x1024xf32, #tpu.memory_space<hbm>>
    %dma_start3A_208 = tpu.memref_squeeze %dma_start3A_207 : memref<1x32x1024xf32, #tpu.memory_space<hbm>> -> memref<32x1024xf32, #tpu.memory_space<hbm>>
    tpu.enqueue_dma source(%arg4 : memref<32x1024xf32, #tpu.memory_space<vmem>>) target(%dma_start3A_208 : memref<32x1024xf32, #tpu.memory_space<hbm>>) target_semaphore(%arg10 : memref<!tpu.dma_semaphore, #tpu.memory_space<semaphore_mem>>)
    %dma_start3A_209 = arith.constant 2 : i32
    %dma_start3A_210 = arith.constant 0 : i32
    %dma_start3A_211 = tpu.memref_slice %arg3[%dma_start3A_209, %add3A_194, %dma_start3A_210] : memref<4x8192x1024xf32, #tpu.memory_space<hbm>> -> memref<1x32x1024xf32, #tpu.memory_space<hbm>>
    %dma_start3A_212 = tpu.memref_squeeze %dma_start3A_211 : memref<1x32x1024xf32, #tpu.memory_space<hbm>> -> memref<32x1024xf32, #tpu.memory_space<hbm>>
    %dma_start3A_213 = arith.constant 0 : i32
    %dma_start3A_214 = tpu.memref_slice %arg3[%dma_start3A_209, %add3A_194, %dma_start3A_213] : memref<4x8192x1024xf32, #tpu.memory_space<hbm>> -> memref<1x32x1024xf32, #tpu.memory_space<hbm>>
    %dma_start3A_215 = tpu.memref_squeeze %dma_start3A_214 : memref<1x32x1024xf32, #tpu.memory_space<hbm>> -> memref<32x1024xf32, #tpu.memory_space<hbm>>
    tpu.enqueue_dma source(%arg4 : memref<32x1024xf32, #tpu.memory_space<vmem>>) target(%dma_start3A_215 : memref<32x1024xf32, #tpu.memory_space<hbm>>) target_semaphore(%arg10 : memref<!tpu.dma_semaphore, #tpu.memory_space<semaphore_mem>>)
    %dma_start3A_216 = arith.constant 3 : i32
    %dma_start3A_217 = arith.constant 0 : i32
    %dma_start3A_218 = tpu.memref_slice %arg3[%dma_start3A_216, %add3A_194, %dma_start3A_217] : memref<4x8192x1024xf32, #tpu.memory_space<hbm>> -> memref<1x32x1024xf32, #tpu.memory_space<hbm>>
    %dma_start3A_219 = tpu.memref_squeeze %dma_start3A_218 : memref<1x32x1024xf32, #tpu.memory_space<hbm>> -> memref<32x1024xf32, #tpu.memory_space<hbm>>
    %dma_start3A_220 = arith.constant 0 : i32
    %dma_start3A_221 = tpu.memref_slice %arg3[%dma_start3A_216, %add3A_194, %dma_start3A_220] : memref<4x8192x1024xf32, #tpu.memory_space<hbm>> -> memref<1x32x1024xf32, #tpu.memory_space<hbm>>
    %dma_start3A_222 = tpu.memref_squeeze %dma_start3A_221 : memref<1x32x1024xf32, #tpu.memory_space<hbm>> -> memref<32x1024xf32, #tpu.memory_space<hbm>>
    tpu.enqueue_dma source(%arg4 : memref<32x1024xf32, #tpu.memory_space<vmem>>) target(%dma_start3A_222 : memref<32x1024xf32, #tpu.memory_space<hbm>>) target_semaphore(%arg10 : memref<!tpu.dma_semaphore, #tpu.memory_space<semaphore_mem>>)
    %dma_wait3A_223 = arith.constant 0 : i32
    %dma_wait3A_224 = arith.constant 0 : i32
    %dma_wait3A_225 = tpu.memref_slice %arg3[%dma_wait3A_223, %add3A_126, %dma_wait3A_224] : memref<4x8192x1024xf32, #tpu.memory_space<hbm>> -> memref<1x32x1024xf32, #tpu.memory_space<hbm>>
    %dma_wait3A_226 = tpu.memref_squeeze %dma_wait3A_225 : memref<1x32x1024xf32, #tpu.memory_space<hbm>> -> memref<32x1024xf32, #tpu.memory_space<hbm>>
    %dma_wait3A_227 = arith.constant 0 : i32
    %dma_wait3A_228 = tpu.memref_slice %arg3[%dma_wait3A_223, %add3A_126, %dma_wait3A_227] : memref<4x8192x1024xf32, #tpu.memory_space<hbm>> -> memref<1x32x1024xf32, #tpu.memory_space<hbm>>
    %dma_wait3A_229 = tpu.memref_squeeze %dma_wait3A_228 : memref<1x32x1024xf32, #tpu.memory_space<hbm>> -> memref<32x1024xf32, #tpu.memory_space<hbm>>
    tpu.wait_dma2 semaphore(%arg12 : memref<!tpu.dma_semaphore, #tpu.memory_space<semaphore_mem>>) src(%arg6 : memref<32x1024xf32, #tpu.memory_space<vmem>>) dst(%dma_wait3A_229 : memref<32x1024xf32, #tpu.memory_space<hbm>>)
    %dma_wait3A_230 = arith.constant 1 : i32
    %dma_wait3A_231 = arith.constant 0 : i32
    %dma_wait3A_232 = tpu.memref_slice %arg3[%dma_wait3A_230, %add3A_126, %dma_wait3A_231] : memref<4x8192x1024xf32, #tpu.memory_space<hbm>> -> memref<1x32x1024xf32, #tpu.memory_space<hbm>>
    %dma_wait3A_233 = tpu.memref_squeeze %dma_wait3A_232 : memref<1x32x1024xf32, #tpu.memory_space<hbm>> -> memref<32x1024xf32, #tpu.memory_space<hbm>>
    %dma_wait3A_234 = arith.constant 0 : i32
    %dma_wait3A_235 = tpu.memref_slice %arg3[%dma_wait3A_230, %add3A_126, %dma_wait3A_234] : memref<4x8192x1024xf32, #tpu.memory_space<hbm>> -> memref<1x32x1024xf32, #tpu.memory_space<hbm>>
    %dma_wait3A_236 = tpu.memref_squeeze %dma_wait3A_235 : memref<1x32x1024xf32, #tpu.memory_space<hbm>> -> memref<32x1024xf32, #tpu.memory_space<hbm>>
    tpu.wait_dma2 semaphore(%arg12 : memref<!tpu.dma_semaphore, #tpu.memory_space<semaphore_mem>>) src(%arg6 : memref<32x1024xf32, #tpu.memory_space<vmem>>) dst(%dma_wait3A_236 : memref<32x1024xf32, #tpu.memory_space<hbm>>)
    %dma_wait3A_237 = arith.constant 2 : i32
    %dma_wait3A_238 = arith.constant 0 : i32
    %dma_wait3A_239 = tpu.memref_slice %arg3[%dma_wait3A_237, %add3A_126, %dma_wait3A_238] : memref<4x8192x1024xf32, #tpu.memory_space<hbm>> -> memref<1x32x1024xf32, #tpu.memory_space<hbm>>
    %dma_wait3A_240 = tpu.memref_squeeze %dma_wait3A_239 : memref<1x32x1024xf32, #tpu.memory_space<hbm>> -> memref<32x1024xf32, #tpu.memory_space<hbm>>
    %dma_wait3A_241 = arith.constant 0 : i32
    %dma_wait3A_242 = tpu.memref_slice %arg3[%dma_wait3A_237, %add3A_126, %dma_wait3A_241] : memref<4x8192x1024xf32, #tpu.memory_space<hbm>> -> memref<1x32x1024xf32, #tpu.memory_space<hbm>>
    %dma_wait3A_243 = tpu.memref_squeeze %dma_wait3A_242 : memref<1x32x1024xf32, #tpu.memory_space<hbm>> -> memref<32x1024xf32, #tpu.memory_space<hbm>>
    tpu.wait_dma2 semaphore(%arg12 : memref<!tpu.dma_semaphore, #tpu.memory_space<semaphore_mem>>) src(%arg6 : memref<32x1024xf32, #tpu.memory_space<vmem>>) dst(%dma_wait3A_243 : memref<32x1024xf32, #tpu.memory_space<hbm>>)
    %dma_wait3A_244 = arith.constant 3 : i32
    %dma_wait3A_245 = arith.constant 0 : i32
    %dma_wait3A_246 = tpu.memref_slice %arg3[%dma_wait3A_244, %add3A_126, %dma_wait3A_245] : memref<4x8192x1024xf32, #tpu.memory_space<hbm>> -> memref<1x32x1024xf32, #tpu.memory_space<hbm>>
    %dma_wait3A_247 = tpu.memref_squeeze %dma_wait3A_246 : memref<1x32x1024xf32, #tpu.memory_space<hbm>> -> memref<32x1024xf32, #tpu.memory_space<hbm>>
    %dma_wait3A_248 = arith.constant 0 : i32
    %dma_wait3A_249 = tpu.memref_slice %arg3[%dma_wait3A_244, %add3A_126, %dma_wait3A_248] : memref<4x8192x1024xf32, #tpu.memory_space<hbm>> -> memref<1x32x1024xf32, #tpu.memory_space<hbm>>
    %dma_wait3A_250 = tpu.memref_squeeze %dma_wait3A_249 : memref<1x32x1024xf32, #tpu.memory_space<hbm>> -> memref<32x1024xf32, #tpu.memory_space<hbm>>
    tpu.wait_dma2 semaphore(%arg12 : memref<!tpu.dma_semaphore, #tpu.memory_space<semaphore_mem>>) src(%arg6 : memref<32x1024xf32, #tpu.memory_space<vmem>>) dst(%dma_wait3A_250 : memref<32x1024xf32, #tpu.memory_space<hbm>>)
    %add3A_251 = arith.constant 160 : i32
    %add3A_252 = arith.addi %mul3A_2, %add3A_251 : i32
    %dma_start3A_253 = arith.constant 0 : i32
    %dma_start3A_254 = tpu.memref_slice %arg2[%add3A_252, %dma_start3A_253] : memref<8192x1024xf32, #tpu.memory_space<hbm>> -> memref<32x1024xf32, #tpu.memory_space<hbm>>
    %dma_start3A_255 = arith.constant 0 : i32
    %dma_start3A_256 = tpu.memref_slice %arg2[%add3A_252, %dma_start3A_255] : memref<8192x1024xf32, #tpu.memory_space<hbm>> -> memref<32x1024xf32, #tpu.memory_space<hbm>>
    tpu.enqueue_dma source(%dma_start3A_256 : memref<32x1024xf32, #tpu.memory_space<hbm>>) target(%arg6 : memref<32x1024xf32, #tpu.memory_space<vmem>>) target_semaphore(%arg9 : memref<!tpu.dma_semaphore, #tpu.memory_space<semaphore_mem>>)
    %dma_wait3A_257 = arith.constant 0 : i32
    %dma_wait3A_258 = tpu.memref_slice %arg2[%add3A_184, %dma_wait3A_257] : memref<8192x1024xf32, #tpu.memory_space<hbm>> -> memref<32x1024xf32, #tpu.memory_space<hbm>>
    %dma_wait3A_259 = arith.constant 0 : i32
    %dma_wait3A_260 = tpu.memref_slice %arg2[%add3A_184, %dma_wait3A_259] : memref<8192x1024xf32, #tpu.memory_space<hbm>> -> memref<32x1024xf32, #tpu.memory_space<hbm>>
    tpu.wait_dma2 semaphore(%arg8 : memref<!tpu.dma_semaphore, #tpu.memory_space<semaphore_mem>>) src(%dma_wait3A_260 : memref<32x1024xf32, #tpu.memory_space<hbm>>) dst(%arg5 : memref<32x1024xf32, #tpu.memory_space<vmem>>)
    %add3A_261 = arith.constant 128 : i32
    %add3A_262 = arith.addi %mul3A_2, %add3A_261 : i32
    %dma_start3A_263 = arith.constant 0 : i32
    %dma_start3A_264 = arith.constant 0 : i32
    %dma_start3A_265 = tpu.memref_slice %arg3[%dma_start3A_263, %add3A_262, %dma_start3A_264] : memref<4x8192x1024xf32, #tpu.memory_space<hbm>> -> memref<1x32x1024xf32, #tpu.memory_space<hbm>>
    %dma_start3A_266 = tpu.memref_squeeze %dma_start3A_265 : memref<1x32x1024xf32, #tpu.memory_space<hbm>> -> memref<32x1024xf32, #tpu.memory_space<hbm>>
    %dma_start3A_267 = arith.constant 0 : i32
    %dma_start3A_268 = tpu.memref_slice %arg3[%dma_start3A_263, %add3A_262, %dma_start3A_267] : memref<4x8192x1024xf32, #tpu.memory_space<hbm>> -> memref<1x32x1024xf32, #tpu.memory_space<hbm>>
    %dma_start3A_269 = tpu.memref_squeeze %dma_start3A_268 : memref<1x32x1024xf32, #tpu.memory_space<hbm>> -> memref<32x1024xf32, #tpu.memory_space<hbm>>
    tpu.enqueue_dma source(%arg5 : memref<32x1024xf32, #tpu.memory_space<vmem>>) target(%dma_start3A_269 : memref<32x1024xf32, #tpu.memory_space<hbm>>) target_semaphore(%arg11 : memref<!tpu.dma_semaphore, #tpu.memory_space<semaphore_mem>>)
    %dma_start3A_270 = arith.constant 1 : i32
    %dma_start3A_271 = arith.constant 0 : i32
    %dma_start3A_272 = tpu.memref_slice %arg3[%dma_start3A_270, %add3A_262, %dma_start3A_271] : memref<4x8192x1024xf32, #tpu.memory_space<hbm>> -> memref<1x32x1024xf32, #tpu.memory_space<hbm>>
    %dma_start3A_273 = tpu.memref_squeeze %dma_start3A_272 : memref<1x32x1024xf32, #tpu.memory_space<hbm>> -> memref<32x1024xf32, #tpu.memory_space<hbm>>
    %dma_start3A_274 = arith.constant 0 : i32
    %dma_start3A_275 = tpu.memref_slice %arg3[%dma_start3A_270, %add3A_262, %dma_start3A_274] : memref<4x8192x1024xf32, #tpu.memory_space<hbm>> -> memref<1x32x1024xf32, #tpu.memory_space<hbm>>
    %dma_start3A_276 = tpu.memref_squeeze %dma_start3A_275 : memref<1x32x1024xf32, #tpu.memory_space<hbm>> -> memref<32x1024xf32, #tpu.memory_space<hbm>>
    tpu.enqueue_dma source(%arg5 : memref<32x1024xf32, #tpu.memory_space<vmem>>) target(%dma_start3A_276 : memref<32x1024xf32, #tpu.memory_space<hbm>>) target_semaphore(%arg11 : memref<!tpu.dma_semaphore, #tpu.memory_space<semaphore_mem>>)
    %dma_start3A_277 = arith.constant 2 : i32
    %dma_start3A_278 = arith.constant 0 : i32
    %dma_start3A_279 = tpu.memref_slice %arg3[%dma_start3A_277, %add3A_262, %dma_start3A_278] : memref<4x8192x1024xf32, #tpu.memory_space<hbm>> -> memref<1x32x1024xf32, #tpu.memory_space<hbm>>
    %dma_start3A_280 = tpu.memref_squeeze %dma_start3A_279 : memref<1x32x1024xf32, #tpu.memory_space<hbm>> -> memref<32x1024xf32, #tpu.memory_space<hbm>>
    %dma_start3A_281 = arith.constant 0 : i32
    %dma_start3A_282 = tpu.memref_slice %arg3[%dma_start3A_277, %add3A_262, %dma_start3A_281] : memref<4x8192x1024xf32, #tpu.memory_space<hbm>> -> memref<1x32x1024xf32, #tpu.memory_space<hbm>>
    %dma_start3A_283 = tpu.memref_squeeze %dma_start3A_282 : memref<1x32x1024xf32, #tpu.memory_space<hbm>> -> memref<32x1024xf32, #tpu.memory_space<hbm>>
    tpu.enqueue_dma source(%arg5 : memref<32x1024xf32, #tpu.memory_space<vmem>>) target(%dma_start3A_283 : memref<32x1024xf32, #tpu.memory_space<hbm>>) target_semaphore(%arg11 : memref<!tpu.dma_semaphore, #tpu.memory_space<semaphore_mem>>)
    %dma_start3A_284 = arith.constant 3 : i32
    %dma_start3A_285 = arith.constant 0 : i32
    %dma_start3A_286 = tpu.memref_slice %arg3[%dma_start3A_284, %add3A_262, %dma_start3A_285] : memref<4x8192x1024xf32, #tpu.memory_space<hbm>> -> memref<1x32x1024xf32, #tpu.memory_space<hbm>>
    %dma_start3A_287 = tpu.memref_squeeze %dma_start3A_286 : memref<1x32x1024xf32, #tpu.memory_space<hbm>> -> memref<32x1024xf32, #tpu.memory_space<hbm>>
    %dma_start3A_288 = arith.constant 0 : i32
    %dma_start3A_289 = tpu.memref_slice %arg3[%dma_start3A_284, %add3A_262, %dma_start3A_288] : memref<4x8192x1024xf32, #tpu.memory_space<hbm>> -> memref<1x32x1024xf32, #tpu.memory_space<hbm>>
    %dma_start3A_290 = tpu.memref_squeeze %dma_start3A_289 : memref<1x32x1024xf32, #tpu.memory_space<hbm>> -> memref<32x1024xf32, #tpu.memory_space<hbm>>
    tpu.enqueue_dma source(%arg5 : memref<32x1024xf32, #tpu.memory_space<vmem>>) target(%dma_start3A_290 : memref<32x1024xf32, #tpu.memory_space<hbm>>) target_semaphore(%arg11 : memref<!tpu.dma_semaphore, #tpu.memory_space<semaphore_mem>>)
    %dma_wait3A_291 = arith.constant 0 : i32
    %dma_wait3A_292 = arith.constant 0 : i32
    %dma_wait3A_293 = tpu.memref_slice %arg3[%dma_wait3A_291, %add3A_194, %dma_wait3A_292] : memref<4x8192x1024xf32, #tpu.memory_space<hbm>> -> memref<1x32x1024xf32, #tpu.memory_space<hbm>>
    %dma_wait3A_294 = tpu.memref_squeeze %dma_wait3A_293 : memref<1x32x1024xf32, #tpu.memory_space<hbm>> -> memref<32x1024xf32, #tpu.memory_space<hbm>>
    %dma_wait3A_295 = arith.constant 0 : i32
    %dma_wait3A_296 = tpu.memref_slice %arg3[%dma_wait3A_291, %add3A_194, %dma_wait3A_295] : memref<4x8192x1024xf32, #tpu.memory_space<hbm>> -> memref<1x32x1024xf32, #tpu.memory_space<hbm>>
    %dma_wait3A_297 = tpu.memref_squeeze %dma_wait3A_296 : memref<1x32x1024xf32, #tpu.memory_space<hbm>> -> memref<32x1024xf32, #tpu.memory_space<hbm>>
    tpu.wait_dma2 semaphore(%arg10 : memref<!tpu.dma_semaphore, #tpu.memory_space<semaphore_mem>>) src(%arg4 : memref<32x1024xf32, #tpu.memory_space<vmem>>) dst(%dma_wait3A_297 : memref<32x1024xf32, #tpu.memory_space<hbm>>)
    %dma_wait3A_298 = arith.constant 1 : i32
    %dma_wait3A_299 = arith.constant 0 : i32
    %dma_wait3A_300 = tpu.memref_slice %arg3[%dma_wait3A_298, %add3A_194, %dma_wait3A_299] : memref<4x8192x1024xf32, #tpu.memory_space<hbm>> -> memref<1x32x1024xf32, #tpu.memory_space<hbm>>
    %dma_wait3A_301 = tpu.memref_squeeze %dma_wait3A_300 : memref<1x32x1024xf32, #tpu.memory_space<hbm>> -> memref<32x1024xf32, #tpu.memory_space<hbm>>
    %dma_wait3A_302 = arith.constant 0 : i32
    %dma_wait3A_303 = tpu.memref_slice %arg3[%dma_wait3A_298, %add3A_194, %dma_wait3A_302] : memref<4x8192x1024xf32, #tpu.memory_space<hbm>> -> memref<1x32x1024xf32, #tpu.memory_space<hbm>>
    %dma_wait3A_304 = tpu.memref_squeeze %dma_wait3A_303 : memref<1x32x1024xf32, #tpu.memory_space<hbm>> -> memref<32x1024xf32, #tpu.memory_space<hbm>>
    tpu.wait_dma2 semaphore(%arg10 : memref<!tpu.dma_semaphore, #tpu.memory_space<semaphore_mem>>) src(%arg4 : memref<32x1024xf32, #tpu.memory_space<vmem>>) dst(%dma_wait3A_304 : memref<32x1024xf32, #tpu.memory_space<hbm>>)
    %dma_wait3A_305 = arith.constant 2 : i32
    %dma_wait3A_306 = arith.constant 0 : i32
    %dma_wait3A_307 = tpu.memref_slice %arg3[%dma_wait3A_305, %add3A_194, %dma_wait3A_306] : memref<4x8192x1024xf32, #tpu.memory_space<hbm>> -> memref<1x32x1024xf32, #tpu.memory_space<hbm>>
    %dma_wait3A_308 = tpu.memref_squeeze %dma_wait3A_307 : memref<1x32x1024xf32, #tpu.memory_space<hbm>> -> memref<32x1024xf32, #tpu.memory_space<hbm>>
    %dma_wait3A_309 = arith.constant 0 : i32
    %dma_wait3A_310 = tpu.memref_slice %arg3[%dma_wait3A_305, %add3A_194, %dma_wait3A_309] : memref<4x8192x1024xf32, #tpu.memory_space<hbm>> -> memref<1x32x1024xf32, #tpu.memory_space<hbm>>
    %dma_wait3A_311 = tpu.memref_squeeze %dma_wait3A_310 : memref<1x32x1024xf32, #tpu.memory_space<hbm>> -> memref<32x1024xf32, #tpu.memory_space<hbm>>
    tpu.wait_dma2 semaphore(%arg10 : memref<!tpu.dma_semaphore, #tpu.memory_space<semaphore_mem>>) src(%arg4 : memref<32x1024xf32, #tpu.memory_space<vmem>>) dst(%dma_wait3A_311 : memref<32x1024xf32, #tpu.memory_space<hbm>>)
    %dma_wait3A_312 = arith.constant 3 : i32
    %dma_wait3A_313 = arith.constant 0 : i32
    %dma_wait3A_314 = tpu.memref_slice %arg3[%dma_wait3A_312, %add3A_194, %dma_wait3A_313] : memref<4x8192x1024xf32, #tpu.memory_space<hbm>> -> memref<1x32x1024xf32, #tpu.memory_space<hbm>>
    %dma_wait3A_315 = tpu.memref_squeeze %dma_wait3A_314 : memref<1x32x1024xf32, #tpu.memory_space<hbm>> -> memref<32x1024xf32, #tpu.memory_space<hbm>>
    %dma_wait3A_316 = arith.constant 0 : i32
    %dma_wait3A_317 = tpu.memref_slice %arg3[%dma_wait3A_312, %add3A_194, %dma_wait3A_316] : memref<4x8192x1024xf32, #tpu.memory_space<hbm>> -> memref<1x32x1024xf32, #tpu.memory_space<hbm>>
    %dma_wait3A_318 = tpu.memref_squeeze %dma_wait3A_317 : memref<1x32x1024xf32, #tpu.memory_space<hbm>> -> memref<32x1024xf32, #tpu.memory_space<hbm>>
    tpu.wait_dma2 semaphore(%arg10 : memref<!tpu.dma_semaphore, #tpu.memory_space<semaphore_mem>>) src(%arg4 : memref<32x1024xf32, #tpu.memory_space<vmem>>) dst(%dma_wait3A_318 : memref<32x1024xf32, #tpu.memory_space<hbm>>)
    %add3A_319 = arith.constant 192 : i32
    %add3A_320 = arith.addi %mul3A_2, %add3A_319 : i32
    %dma_start3A_321 = arith.constant 0 : i32
    %dma_start3A_322 = tpu.memref_slice %arg2[%add3A_320, %dma_start3A_321] : memref<8192x1024xf32, #tpu.memory_space<hbm>> -> memref<32x1024xf32, #tpu.memory_space<hbm>>
    %dma_start3A_323 = arith.constant 0 : i32
    %dma_start3A_324 = tpu.memref_slice %arg2[%add3A_320, %dma_start3A_323] : memref<8192x1024xf32, #tpu.memory_space<hbm>> -> memref<32x1024xf32, #tpu.memory_space<hbm>>
    tpu.enqueue_dma source(%dma_start3A_324 : memref<32x1024xf32, #tpu.memory_space<hbm>>) target(%arg4 : memref<32x1024xf32, #tpu.memory_space<vmem>>) target_semaphore(%arg7 : memref<!tpu.dma_semaphore, #tpu.memory_space<semaphore_mem>>)
    %dma_wait3A_325 = arith.constant 0 : i32
    %dma_wait3A_326 = tpu.memref_slice %arg2[%add3A_252, %dma_wait3A_325] : memref<8192x1024xf32, #tpu.memory_space<hbm>> -> memref<32x1024xf32, #tpu.memory_space<hbm>>
    %dma_wait3A_327 = arith.constant 0 : i32
    %dma_wait3A_328 = tpu.memref_slice %arg2[%add3A_252, %dma_wait3A_327] : memref<8192x1024xf32, #tpu.memory_space<hbm>> -> memref<32x1024xf32, #tpu.memory_space<hbm>>
    tpu.wait_dma2 semaphore(%arg9 : memref<!tpu.dma_semaphore, #tpu.memory_space<semaphore_mem>>) src(%dma_wait3A_328 : memref<32x1024xf32, #tpu.memory_space<hbm>>) dst(%arg6 : memref<32x1024xf32, #tpu.memory_space<vmem>>)
    %add3A_329 = arith.constant 160 : i32
    %add3A_330 = arith.addi %mul3A_2, %add3A_329 : i32
    %dma_start3A_331 = arith.constant 0 : i32
    %dma_start3A_332 = arith.constant 0 : i32
    %dma_start3A_333 = tpu.memref_slice %arg3[%dma_start3A_331, %add3A_330, %dma_start3A_332] : memref<4x8192x1024xf32, #tpu.memory_space<hbm>> -> memref<1x32x1024xf32, #tpu.memory_space<hbm>>
    %dma_start3A_334 = tpu.memref_squeeze %dma_start3A_333 : memref<1x32x1024xf32, #tpu.memory_space<hbm>> -> memref<32x1024xf32, #tpu.memory_space<hbm>>
    %dma_start3A_335 = arith.constant 0 : i32
    %dma_start3A_336 = tpu.memref_slice %arg3[%dma_start3A_331, %add3A_330, %dma_start3A_335] : memref<4x8192x1024xf32, #tpu.memory_space<hbm>> -> memref<1x32x1024xf32, #tpu.memory_space<hbm>>
    %dma_start3A_337 = tpu.memref_squeeze %dma_start3A_336 : memref<1x32x1024xf32, #tpu.memory_space<hbm>> -> memref<32x1024xf32, #tpu.memory_space<hbm>>
    tpu.enqueue_dma source(%arg6 : memref<32x1024xf32, #tpu.memory_space<vmem>>) target(%dma_start3A_337 : memref<32x1024xf32, #tpu.memory_space<hbm>>) target_semaphore(%arg12 : memref<!tpu.dma_semaphore, #tpu.memory_space<semaphore_mem>>)
    %dma_start3A_338 = arith.constant 1 : i32
    %dma_start3A_339 = arith.constant 0 : i32
    %dma_start3A_340 = tpu.memref_slice %arg3[%dma_start3A_338, %add3A_330, %dma_start3A_339] : memref<4x8192x1024xf32, #tpu.memory_space<hbm>> -> memref<1x32x1024xf32, #tpu.memory_space<hbm>>
    %dma_start3A_341 = tpu.memref_squeeze %dma_start3A_340 : memref<1x32x1024xf32, #tpu.memory_space<hbm>> -> memref<32x1024xf32, #tpu.memory_space<hbm>>
    %dma_start3A_342 = arith.constant 0 : i32
    %dma_start3A_343 = tpu.memref_slice %arg3[%dma_start3A_338, %add3A_330, %dma_start3A_342] : memref<4x8192x1024xf32, #tpu.memory_space<hbm>> -> memref<1x32x1024xf32, #tpu.memory_space<hbm>>
    %dma_start3A_344 = tpu.memref_squeeze %dma_start3A_343 : memref<1x32x1024xf32, #tpu.memory_space<hbm>> -> memref<32x1024xf32, #tpu.memory_space<hbm>>
    tpu.enqueue_dma source(%arg6 : memref<32x1024xf32, #tpu.memory_space<vmem>>) target(%dma_start3A_344 : memref<32x1024xf32, #tpu.memory_space<hbm>>) target_semaphore(%arg12 : memref<!tpu.dma_semaphore, #tpu.memory_space<semaphore_mem>>)
    %dma_start3A_345 = arith.constant 2 : i32
    %dma_start3A_346 = arith.constant 0 : i32
    %dma_start3A_347 = tpu.memref_slice %arg3[%dma_start3A_345, %add3A_330, %dma_start3A_346] : memref<4x8192x1024xf32, #tpu.memory_space<hbm>> -> memref<1x32x1024xf32, #tpu.memory_space<hbm>>
    %dma_start3A_348 = tpu.memref_squeeze %dma_start3A_347 : memref<1x32x1024xf32, #tpu.memory_space<hbm>> -> memref<32x1024xf32, #tpu.memory_space<hbm>>
    %dma_start3A_349 = arith.constant 0 : i32
    %dma_start3A_350 = tpu.memref_slice %arg3[%dma_start3A_345, %add3A_330, %dma_start3A_349] : memref<4x8192x1024xf32, #tpu.memory_space<hbm>> -> memref<1x32x1024xf32, #tpu.memory_space<hbm>>
    %dma_start3A_351 = tpu.memref_squeeze %dma_start3A_350 : memref<1x32x1024xf32, #tpu.memory_space<hbm>> -> memref<32x1024xf32, #tpu.memory_space<hbm>>
    tpu.enqueue_dma source(%arg6 : memref<32x1024xf32, #tpu.memory_space<vmem>>) target(%dma_start3A_351 : memref<32x1024xf32, #tpu.memory_space<hbm>>) target_semaphore(%arg12 : memref<!tpu.dma_semaphore, #tpu.memory_space<semaphore_mem>>)
    %dma_start3A_352 = arith.constant 3 : i32
    %dma_start3A_353 = arith.constant 0 : i32
    %dma_start3A_354 = tpu.memref_slice %arg3[%dma_start3A_352, %add3A_330, %dma_start3A_353] : memref<4x8192x1024xf32, #tpu.memory_space<hbm>> -> memref<1x32x1024xf32, #tpu.memory_space<hbm>>
    %dma_start3A_355 = tpu.memref_squeeze %dma_start3A_354 : memref<1x32x1024xf32, #tpu.memory_space<hbm>> -> memref<32x1024xf32, #tpu.memory_space<hbm>>
    %dma_start3A_356 = arith.constant 0 : i32
    %dma_start3A_357 = tpu.memref_slice %arg3[%dma_start3A_352, %add3A_330, %dma_start3A_356] : memref<4x8192x1024xf32, #tpu.memory_space<hbm>> -> memref<1x32x1024xf32, #tpu.memory_space<hbm>>
    %dma_start3A_358 = tpu.memref_squeeze %dma_start3A_357 : memref<1x32x1024xf32, #tpu.memory_space<hbm>> -> memref<32x1024xf32, #tpu.memory_space<hbm>>
    tpu.enqueue_dma source(%arg6 : memref<32x1024xf32, #tpu.memory_space<vmem>>) target(%dma_start3A_358 : memref<32x1024xf32, #tpu.memory_space<hbm>>) target_semaphore(%arg12 : memref<!tpu.dma_semaphore, #tpu.memory_space<semaphore_mem>>)
    %dma_wait3A_359 = arith.constant 0 : i32
    %dma_wait3A_360 = arith.constant 0 : i32
    %dma_wait3A_361 = tpu.memref_slice %arg3[%dma_wait3A_359, %add3A_262, %dma_wait3A_360] : memref<4x8192x1024xf32, #tpu.memory_space<hbm>> -> memref<1x32x1024xf32, #tpu.memory_space<hbm>>
    %dma_wait3A_362 = tpu.memref_squeeze %dma_wait3A_361 : memref<1x32x1024xf32, #tpu.memory_space<hbm>> -> memref<32x1024xf32, #tpu.memory_space<hbm>>
    %dma_wait3A_363 = arith.constant 0 : i32
    %dma_wait3A_364 = tpu.memref_slice %arg3[%dma_wait3A_359, %add3A_262, %dma_wait3A_363] : memref<4x8192x1024xf32, #tpu.memory_space<hbm>> -> memref<1x32x1024xf32, #tpu.memory_space<hbm>>
    %dma_wait3A_365 = tpu.memref_squeeze %dma_wait3A_364 : memref<1x32x1024xf32, #tpu.memory_space<hbm>> -> memref<32x1024xf32, #tpu.memory_space<hbm>>
    tpu.wait_dma2 semaphore(%arg11 : memref<!tpu.dma_semaphore, #tpu.memory_space<semaphore_mem>>) src(%arg5 : memref<32x1024xf32, #tpu.memory_space<vmem>>) dst(%dma_wait3A_365 : memref<32x1024xf32, #tpu.memory_space<hbm>>)
    %dma_wait3A_366 = arith.constant 1 : i32
    %dma_wait3A_367 = arith.constant 0 : i32
    %dma_wait3A_368 = tpu.memref_slice %arg3[%dma_wait3A_366, %add3A_262, %dma_wait3A_367] : memref<4x8192x1024xf32, #tpu.memory_space<hbm>> -> memref<1x32x1024xf32, #tpu.memory_space<hbm>>
    %dma_wait3A_369 = tpu.memref_squeeze %dma_wait3A_368 : memref<1x32x1024xf32, #tpu.memory_space<hbm>> -> memref<32x1024xf32, #tpu.memory_space<hbm>>
    %dma_wait3A_370 = arith.constant 0 : i32
    %dma_wait3A_371 = tpu.memref_slice %arg3[%dma_wait3A_366, %add3A_262, %dma_wait3A_370] : memref<4x8192x1024xf32, #tpu.memory_space<hbm>> -> memref<1x32x1024xf32, #tpu.memory_space<hbm>>
    %dma_wait3A_372 = tpu.memref_squeeze %dma_wait3A_371 : memref<1x32x1024xf32, #tpu.memory_space<hbm>> -> memref<32x1024xf32, #tpu.memory_space<hbm>>
    tpu.wait_dma2 semaphore(%arg11 : memref<!tpu.dma_semaphore, #tpu.memory_space<semaphore_mem>>) src(%arg5 : memref<32x1024xf32, #tpu.memory_space<vmem>>) dst(%dma_wait3A_372 : memref<32x1024xf32, #tpu.memory_space<hbm>>)
    %dma_wait3A_373 = arith.constant 2 : i32
    %dma_wait3A_374 = arith.constant 0 : i32
    %dma_wait3A_375 = tpu.memref_slice %arg3[%dma_wait3A_373, %add3A_262, %dma_wait3A_374] : memref<4x8192x1024xf32, #tpu.memory_space<hbm>> -> memref<1x32x1024xf32, #tpu.memory_space<hbm>>
    %dma_wait3A_376 = tpu.memref_squeeze %dma_wait3A_375 : memref<1x32x1024xf32, #tpu.memory_space<hbm>> -> memref<32x1024xf32, #tpu.memory_space<hbm>>
    %dma_wait3A_377 = arith.constant 0 : i32
    %dma_wait3A_378 = tpu.memref_slice %arg3[%dma_wait3A_373, %add3A_262, %dma_wait3A_377] : memref<4x8192x1024xf32, #tpu.memory_space<hbm>> -> memref<1x32x1024xf32, #tpu.memory_space<hbm>>
    %dma_wait3A_379 = tpu.memref_squeeze %dma_wait3A_378 : memref<1x32x1024xf32, #tpu.memory_space<hbm>> -> memref<32x1024xf32, #tpu.memory_space<hbm>>
    tpu.wait_dma2 semaphore(%arg11 : memref<!tpu.dma_semaphore, #tpu.memory_space<semaphore_mem>>) src(%arg5 : memref<32x1024xf32, #tpu.memory_space<vmem>>) dst(%dma_wait3A_379 : memref<32x1024xf32, #tpu.memory_space<hbm>>)
    %dma_wait3A_380 = arith.constant 3 : i32
    %dma_wait3A_381 = arith.constant 0 : i32
    %dma_wait3A_382 = tpu.memref_slice %arg3[%dma_wait3A_380, %add3A_262, %dma_wait3A_381] : memref<4x8192x1024xf32, #tpu.memory_space<hbm>> -> memref<1x32x1024xf32, #tpu.memory_space<hbm>>
    %dma_wait3A_383 = tpu.memref_squeeze %dma_wait3A_382 : memref<1x32x1024xf32, #tpu.memory_space<hbm>> -> memref<32x1024xf32, #tpu.memory_space<hbm>>
    %dma_wait3A_384 = arith.constant 0 : i32
    %dma_wait3A_385 = tpu.memref_slice %arg3[%dma_wait3A_380, %add3A_262, %dma_wait3A_384] : memref<4x8192x1024xf32, #tpu.memory_space<hbm>> -> memref<1x32x1024xf32, #tpu.memory_space<hbm>>
    %dma_wait3A_386 = tpu.memref_squeeze %dma_wait3A_385 : memref<1x32x1024xf32, #tpu.memory_space<hbm>> -> memref<32x1024xf32, #tpu.memory_space<hbm>>
    tpu.wait_dma2 semaphore(%arg11 : memref<!tpu.dma_semaphore, #tpu.memory_space<semaphore_mem>>) src(%arg5 : memref<32x1024xf32, #tpu.memory_space<vmem>>) dst(%dma_wait3A_386 : memref<32x1024xf32, #tpu.memory_space<hbm>>)
    %add3A_387 = arith.constant 224 : i32
    %add3A_388 = arith.addi %mul3A_2, %add3A_387 : i32
    %dma_start3A_389 = arith.constant 0 : i32
    %dma_start3A_390 = tpu.memref_slice %arg2[%add3A_388, %dma_start3A_389] : memref<8192x1024xf32, #tpu.memory_space<hbm>> -> memref<32x1024xf32, #tpu.memory_space<hbm>>
    %dma_start3A_391 = arith.constant 0 : i32
    %dma_start3A_392 = tpu.memref_slice %arg2[%add3A_388, %dma_start3A_391] : memref<8192x1024xf32, #tpu.memory_space<hbm>> -> memref<32x1024xf32, #tpu.memory_space<hbm>>
    tpu.enqueue_dma source(%dma_start3A_392 : memref<32x1024xf32, #tpu.memory_space<hbm>>) target(%arg5 : memref<32x1024xf32, #tpu.memory_space<vmem>>) target_semaphore(%arg8 : memref<!tpu.dma_semaphore, #tpu.memory_space<semaphore_mem>>)
    %dma_wait3A_393 = arith.constant 0 : i32
    %dma_wait3A_394 = tpu.memref_slice %arg2[%add3A_320, %dma_wait3A_393] : memref<8192x1024xf32, #tpu.memory_space<hbm>> -> memref<32x1024xf32, #tpu.memory_space<hbm>>
    %dma_wait3A_395 = arith.constant 0 : i32
    %dma_wait3A_396 = tpu.memref_slice %arg2[%add3A_320, %dma_wait3A_395] : memref<8192x1024xf32, #tpu.memory_space<hbm>> -> memref<32x1024xf32, #tpu.memory_space<hbm>>
    tpu.wait_dma2 semaphore(%arg7 : memref<!tpu.dma_semaphore, #tpu.memory_space<semaphore_mem>>) src(%dma_wait3A_396 : memref<32x1024xf32, #tpu.memory_space<hbm>>) dst(%arg4 : memref<32x1024xf32, #tpu.memory_space<vmem>>)
    %add3A_397 = arith.constant 192 : i32
    %add3A_398 = arith.addi %mul3A_2, %add3A_397 : i32
    %dma_start3A_399 = arith.constant 0 : i32
    %dma_start3A_400 = arith.constant 0 : i32
    %dma_start3A_401 = tpu.memref_slice %arg3[%dma_start3A_399, %add3A_398, %dma_start3A_400] : memref<4x8192x1024xf32, #tpu.memory_space<hbm>> -> memref<1x32x1024xf32, #tpu.memory_space<hbm>>
    %dma_start3A_402 = tpu.memref_squeeze %dma_start3A_401 : memref<1x32x1024xf32, #tpu.memory_space<hbm>> -> memref<32x1024xf32, #tpu.memory_space<hbm>>
    %dma_start3A_403 = arith.constant 0 : i32
    %dma_start3A_404 = tpu.memref_slice %arg3[%dma_start3A_399, %add3A_398, %dma_start3A_403] : memref<4x8192x1024xf32, #tpu.memory_space<hbm>> -> memref<1x32x1024xf32, #tpu.memory_space<hbm>>
    %dma_start3A_405 = tpu.memref_squeeze %dma_start3A_404 : memref<1x32x1024xf32, #tpu.memory_space<hbm>> -> memref<32x1024xf32, #tpu.memory_space<hbm>>
    tpu.enqueue_dma source(%arg4 : memref<32x1024xf32, #tpu.memory_space<vmem>>) target(%dma_start3A_405 : memref<32x1024xf32, #tpu.memory_space<hbm>>) target_semaphore(%arg10 : memref<!tpu.dma_semaphore, #tpu.memory_space<semaphore_mem>>)
    %dma_start3A_406 = arith.constant 1 : i32
    %dma_start3A_407 = arith.constant 0 : i32
    %dma_start3A_408 = tpu.memref_slice %arg3[%dma_start3A_406, %add3A_398, %dma_start3A_407] : memref<4x8192x1024xf32, #tpu.memory_space<hbm>> -> memref<1x32x1024xf32, #tpu.memory_space<hbm>>
    %dma_start3A_409 = tpu.memref_squeeze %dma_start3A_408 : memref<1x32x1024xf32, #tpu.memory_space<hbm>> -> memref<32x1024xf32, #tpu.memory_space<hbm>>
    %dma_start3A_410 = arith.constant 0 : i32
    %dma_start3A_411 = tpu.memref_slice %arg3[%dma_start3A_406, %add3A_398, %dma_start3A_410] : memref<4x8192x1024xf32, #tpu.memory_space<hbm>> -> memref<1x32x1024xf32, #tpu.memory_space<hbm>>
    %dma_start3A_412 = tpu.memref_squeeze %dma_start3A_411 : memref<1x32x1024xf32, #tpu.memory_space<hbm>> -> memref<32x1024xf32, #tpu.memory_space<hbm>>
    tpu.enqueue_dma source(%arg4 : memref<32x1024xf32, #tpu.memory_space<vmem>>) target(%dma_start3A_412 : memref<32x1024xf32, #tpu.memory_space<hbm>>) target_semaphore(%arg10 : memref<!tpu.dma_semaphore, #tpu.memory_space<semaphore_mem>>)
    %dma_start3A_413 = arith.constant 2 : i32
    %dma_start3A_414 = arith.constant 0 : i32
    %dma_start3A_415 = tpu.memref_slice %arg3[%dma_start3A_413, %add3A_398, %dma_start3A_414] : memref<4x8192x1024xf32, #tpu.memory_space<hbm>> -> memref<1x32x1024xf32, #tpu.memory_space<hbm>>
    %dma_start3A_416 = tpu.memref_squeeze %dma_start3A_415 : memref<1x32x1024xf32, #tpu.memory_space<hbm>> -> memref<32x1024xf32, #tpu.memory_space<hbm>>
    %dma_start3A_417 = arith.constant 0 : i32
    %dma_start3A_418 = tpu.memref_slice %arg3[%dma_start3A_413, %add3A_398, %dma_start3A_417] : memref<4x8192x1024xf32, #tpu.memory_space<hbm>> -> memref<1x32x1024xf32, #tpu.memory_space<hbm>>
    %dma_start3A_419 = tpu.memref_squeeze %dma_start3A_418 : memref<1x32x1024xf32, #tpu.memory_space<hbm>> -> memref<32x1024xf32, #tpu.memory_space<hbm>>
    tpu.enqueue_dma source(%arg4 : memref<32x1024xf32, #tpu.memory_space<vmem>>) target(%dma_start3A_419 : memref<32x1024xf32, #tpu.memory_space<hbm>>) target_semaphore(%arg10 : memref<!tpu.dma_semaphore, #tpu.memory_space<semaphore_mem>>)
    %dma_start3A_420 = arith.constant 3 : i32
    %dma_start3A_421 = arith.constant 0 : i32
    %dma_start3A_422 = tpu.memref_slice %arg3[%dma_start3A_420, %add3A_398, %dma_start3A_421] : memref<4x8192x1024xf32, #tpu.memory_space<hbm>> -> memref<1x32x1024xf32, #tpu.memory_space<hbm>>
    %dma_start3A_423 = tpu.memref_squeeze %dma_start3A_422 : memref<1x32x1024xf32, #tpu.memory_space<hbm>> -> memref<32x1024xf32, #tpu.memory_space<hbm>>
    %dma_start3A_424 = arith.constant 0 : i32
    %dma_start3A_425 = tpu.memref_slice %arg3[%dma_start3A_420, %add3A_398, %dma_start3A_424] : memref<4x8192x1024xf32, #tpu.memory_space<hbm>> -> memref<1x32x1024xf32, #tpu.memory_space<hbm>>
    %dma_start3A_426 = tpu.memref_squeeze %dma_start3A_425 : memref<1x32x1024xf32, #tpu.memory_space<hbm>> -> memref<32x1024xf32, #tpu.memory_space<hbm>>
    tpu.enqueue_dma source(%arg4 : memref<32x1024xf32, #tpu.memory_space<vmem>>) target(%dma_start3A_426 : memref<32x1024xf32, #tpu.memory_space<hbm>>) target_semaphore(%arg10 : memref<!tpu.dma_semaphore, #tpu.memory_space<semaphore_mem>>)
    %dma_wait3A_427 = arith.constant 0 : i32
    %dma_wait3A_428 = tpu.memref_slice %arg2[%add3A_388, %dma_wait3A_427] : memref<8192x1024xf32, #tpu.memory_space<hbm>> -> memref<32x1024xf32, #tpu.memory_space<hbm>>
    %dma_wait3A_429 = arith.constant 0 : i32
    %dma_wait3A_430 = tpu.memref_slice %arg2[%add3A_388, %dma_wait3A_429] : memref<8192x1024xf32, #tpu.memory_space<hbm>> -> memref<32x1024xf32, #tpu.memory_space<hbm>>
    tpu.wait_dma2 semaphore(%arg8 : memref<!tpu.dma_semaphore, #tpu.memory_space<semaphore_mem>>) src(%dma_wait3A_430 : memref<32x1024xf32, #tpu.memory_space<hbm>>) dst(%arg5 : memref<32x1024xf32, #tpu.memory_space<vmem>>)
    %add3A_431 = arith.constant 224 : i32
    %add3A_432 = arith.addi %mul3A_2, %add3A_431 : i32
    %dma_start3A_433 = arith.constant 0 : i32
    %dma_start3A_434 = arith.constant 0 : i32
    %dma_start3A_435 = tpu.memref_slice %arg3[%dma_start3A_433, %add3A_432, %dma_start3A_434] : memref<4x8192x1024xf32, #tpu.memory_space<hbm>> -> memref<1x32x1024xf32, #tpu.memory_space<hbm>>
    %dma_start3A_436 = tpu.memref_squeeze %dma_start3A_435 : memref<1x32x1024xf32, #tpu.memory_space<hbm>> -> memref<32x1024xf32, #tpu.memory_space<hbm>>
    %dma_start3A_437 = arith.constant 0 : i32
    %dma_start3A_438 = tpu.memref_slice %arg3[%dma_start3A_433, %add3A_432, %dma_start3A_437] : memref<4x8192x1024xf32, #tpu.memory_space<hbm>> -> memref<1x32x1024xf32, #tpu.memory_space<hbm>>
    %dma_start3A_439 = tpu.memref_squeeze %dma_start3A_438 : memref<1x32x1024xf32, #tpu.memory_space<hbm>> -> memref<32x1024xf32, #tpu.memory_space<hbm>>
    tpu.enqueue_dma source(%arg5 : memref<32x1024xf32, #tpu.memory_space<vmem>>) target(%dma_start3A_439 : memref<32x1024xf32, #tpu.memory_space<hbm>>) target_semaphore(%arg11 : memref<!tpu.dma_semaphore, #tpu.memory_space<semaphore_mem>>)
    %dma_start3A_440 = arith.constant 1 : i32
    %dma_start3A_441 = arith.constant 0 : i32
    %dma_start3A_442 = tpu.memref_slice %arg3[%dma_start3A_440, %add3A_432, %dma_start3A_441] : memref<4x8192x1024xf32, #tpu.memory_space<hbm>> -> memref<1x32x1024xf32, #tpu.memory_space<hbm>>
    %dma_start3A_443 = tpu.memref_squeeze %dma_start3A_442 : memref<1x32x1024xf32, #tpu.memory_space<hbm>> -> memref<32x1024xf32, #tpu.memory_space<hbm>>
    %dma_start3A_444 = arith.constant 0 : i32
    %dma_start3A_445 = tpu.memref_slice %arg3[%dma_start3A_440, %add3A_432, %dma_start3A_444] : memref<4x8192x1024xf32, #tpu.memory_space<hbm>> -> memref<1x32x1024xf32, #tpu.memory_space<hbm>>
    %dma_start3A_446 = tpu.memref_squeeze %dma_start3A_445 : memref<1x32x1024xf32, #tpu.memory_space<hbm>> -> memref<32x1024xf32, #tpu.memory_space<hbm>>
    tpu.enqueue_dma source(%arg5 : memref<32x1024xf32, #tpu.memory_space<vmem>>) target(%dma_start3A_446 : memref<32x1024xf32, #tpu.memory_space<hbm>>) target_semaphore(%arg11 : memref<!tpu.dma_semaphore, #tpu.memory_space<semaphore_mem>>)
    %dma_start3A_447 = arith.constant 2 : i32
    %dma_start3A_448 = arith.constant 0 : i32
    %dma_start3A_449 = tpu.memref_slice %arg3[%dma_start3A_447, %add3A_432, %dma_start3A_448] : memref<4x8192x1024xf32, #tpu.memory_space<hbm>> -> memref<1x32x1024xf32, #tpu.memory_space<hbm>>
    %dma_start3A_450 = tpu.memref_squeeze %dma_start3A_449 : memref<1x32x1024xf32, #tpu.memory_space<hbm>> -> memref<32x1024xf32, #tpu.memory_space<hbm>>
    %dma_start3A_451 = arith.constant 0 : i32
    %dma_start3A_452 = tpu.memref_slice %arg3[%dma_start3A_447, %add3A_432, %dma_start3A_451] : memref<4x8192x1024xf32, #tpu.memory_space<hbm>> -> memref<1x32x1024xf32, #tpu.memory_space<hbm>>
    %dma_start3A_453 = tpu.memref_squeeze %dma_start3A_452 : memref<1x32x1024xf32, #tpu.memory_space<hbm>> -> memref<32x1024xf32, #tpu.memory_space<hbm>>
    tpu.enqueue_dma source(%arg5 : memref<32x1024xf32, #tpu.memory_space<vmem>>) target(%dma_start3A_453 : memref<32x1024xf32, #tpu.memory_space<hbm>>) target_semaphore(%arg11 : memref<!tpu.dma_semaphore, #tpu.memory_space<semaphore_mem>>)
    %dma_start3A_454 = arith.constant 3 : i32
    %dma_start3A_455 = arith.constant 0 : i32
    %dma_start3A_456 = tpu.memref_slice %arg3[%dma_start3A_454, %add3A_432, %dma_start3A_455] : memref<4x8192x1024xf32, #tpu.memory_space<hbm>> -> memref<1x32x1024xf32, #tpu.memory_space<hbm>>
    %dma_start3A_457 = tpu.memref_squeeze %dma_start3A_456 : memref<1x32x1024xf32, #tpu.memory_space<hbm>> -> memref<32x1024xf32, #tpu.memory_space<hbm>>
    %dma_start3A_458 = arith.constant 0 : i32
    %dma_start3A_459 = tpu.memref_slice %arg3[%dma_start3A_454, %add3A_432, %dma_start3A_458] : memref<4x8192x1024xf32, #tpu.memory_space<hbm>> -> memref<1x32x1024xf32, #tpu.memory_space<hbm>>
    %dma_start3A_460 = tpu.memref_squeeze %dma_start3A_459 : memref<1x32x1024xf32, #tpu.memory_space<hbm>> -> memref<32x1024xf32, #tpu.memory_space<hbm>>
    tpu.enqueue_dma source(%arg5 : memref<32x1024xf32, #tpu.memory_space<vmem>>) target(%dma_start3A_460 : memref<32x1024xf32, #tpu.memory_space<hbm>>) target_semaphore(%arg11 : memref<!tpu.dma_semaphore, #tpu.memory_space<semaphore_mem>>)
    %dma_wait3A_461 = arith.constant 0 : i32
    %dma_wait3A_462 = arith.constant 0 : i32
    %dma_wait3A_463 = tpu.memref_slice %arg3[%dma_wait3A_461, %add3A_398, %dma_wait3A_462] : memref<4x8192x1024xf32, #tpu.memory_space<hbm>> -> memref<1x32x1024xf32, #tpu.memory_space<hbm>>
    %dma_wait3A_464 = tpu.memref_squeeze %dma_wait3A_463 : memref<1x32x1024xf32, #tpu.memory_space<hbm>> -> memref<32x1024xf32, #tpu.memory_space<hbm>>
    %dma_wait3A_465 = arith.constant 0 : i32
    %dma_wait3A_466 = tpu.memref_slice %arg3[%dma_wait3A_461, %add3A_398, %dma_wait3A_465] : memref<4x8192x1024xf32, #tpu.memory_space<hbm>> -> memref<1x32x1024xf32, #tpu.memory_space<hbm>>
    %dma_wait3A_467 = tpu.memref_squeeze %dma_wait3A_466 : memref<1x32x1024xf32, #tpu.memory_space<hbm>> -> memref<32x1024xf32, #tpu.memory_space<hbm>>
    tpu.wait_dma2 semaphore(%arg10 : memref<!tpu.dma_semaphore, #tpu.memory_space<semaphore_mem>>) src(%arg4 : memref<32x1024xf32, #tpu.memory_space<vmem>>) dst(%dma_wait3A_467 : memref<32x1024xf32, #tpu.memory_space<hbm>>)
    %dma_wait3A_468 = arith.constant 1 : i32
    %dma_wait3A_469 = arith.constant 0 : i32
    %dma_wait3A_470 = tpu.memref_slice %arg3[%dma_wait3A_468, %add3A_398, %dma_wait3A_469] : memref<4x8192x1024xf32, #tpu.memory_space<hbm>> -> memref<1x32x1024xf32, #tpu.memory_space<hbm>>
    %dma_wait3A_471 = tpu.memref_squeeze %dma_wait3A_470 : memref<1x32x1024xf32, #tpu.memory_space<hbm>> -> memref<32x1024xf32, #tpu.memory_space<hbm>>
    %dma_wait3A_472 = arith.constant 0 : i32
    %dma_wait3A_473 = tpu.memref_slice %arg3[%dma_wait3A_468, %add3A_398, %dma_wait3A_472] : memref<4x8192x1024xf32, #tpu.memory_space<hbm>> -> memref<1x32x1024xf32, #tpu.memory_space<hbm>>
    %dma_wait3A_474 = tpu.memref_squeeze %dma_wait3A_473 : memref<1x32x1024xf32, #tpu.memory_space<hbm>> -> memref<32x1024xf32, #tpu.memory_space<hbm>>
    tpu.wait_dma2 semaphore(%arg10 : memref<!tpu.dma_semaphore, #tpu.memory_space<semaphore_mem>>) src(%arg4 : memref<32x1024xf32, #tpu.memory_space<vmem>>) dst(%dma_wait3A_474 : memref<32x1024xf32, #tpu.memory_space<hbm>>)
    %dma_wait3A_475 = arith.constant 2 : i32
    %dma_wait3A_476 = arith.constant 0 : i32
    %dma_wait3A_477 = tpu.memref_slice %arg3[%dma_wait3A_475, %add3A_398, %dma_wait3A_476] : memref<4x8192x1024xf32, #tpu.memory_space<hbm>> -> memref<1x32x1024xf32, #tpu.memory_space<hbm>>
    %dma_wait3A_478 = tpu.memref_squeeze %dma_wait3A_477 : memref<1x32x1024xf32, #tpu.memory_space<hbm>> -> memref<32x1024xf32, #tpu.memory_space<hbm>>
    %dma_wait3A_479 = arith.constant 0 : i32
    %dma_wait3A_480 = tpu.memref_slice %arg3[%dma_wait3A_475, %add3A_398, %dma_wait3A_479] : memref<4x8192x1024xf32, #tpu.memory_space<hbm>> -> memref<1x32x1024xf32, #tpu.memory_space<hbm>>
    %dma_wait3A_481 = tpu.memref_squeeze %dma_wait3A_480 : memref<1x32x1024xf32, #tpu.memory_space<hbm>> -> memref<32x1024xf32, #tpu.memory_space<hbm>>
    tpu.wait_dma2 semaphore(%arg10 : memref<!tpu.dma_semaphore, #tpu.memory_space<semaphore_mem>>) src(%arg4 : memref<32x1024xf32, #tpu.memory_space<vmem>>) dst(%dma_wait3A_481 : memref<32x1024xf32, #tpu.memory_space<hbm>>)
    %dma_wait3A_482 = arith.constant 3 : i32
    %dma_wait3A_483 = arith.constant 0 : i32
    %dma_wait3A_484 = tpu.memref_slice %arg3[%dma_wait3A_482, %add3A_398, %dma_wait3A_483] : memref<4x8192x1024xf32, #tpu.memory_space<hbm>> -> memref<1x32x1024xf32, #tpu.memory_space<hbm>>
    %dma_wait3A_485 = tpu.memref_squeeze %dma_wait3A_484 : memref<1x32x1024xf32, #tpu.memory_space<hbm>> -> memref<32x1024xf32, #tpu.memory_space<hbm>>
    %dma_wait3A_486 = arith.constant 0 : i32
    %dma_wait3A_487 = tpu.memref_slice %arg3[%dma_wait3A_482, %add3A_398, %dma_wait3A_486] : memref<4x8192x1024xf32, #tpu.memory_space<hbm>> -> memref<1x32x1024xf32, #tpu.memory_space<hbm>>
    %dma_wait3A_488 = tpu.memref_squeeze %dma_wait3A_487 : memref<1x32x1024xf32, #tpu.memory_space<hbm>> -> memref<32x1024xf32, #tpu.memory_space<hbm>>
    tpu.wait_dma2 semaphore(%arg10 : memref<!tpu.dma_semaphore, #tpu.memory_space<semaphore_mem>>) src(%arg4 : memref<32x1024xf32, #tpu.memory_space<vmem>>) dst(%dma_wait3A_488 : memref<32x1024xf32, #tpu.memory_space<hbm>>)
    %dma_wait3A_489 = arith.constant 0 : i32
    %dma_wait3A_490 = arith.constant 0 : i32
    %dma_wait3A_491 = tpu.memref_slice %arg3[%dma_wait3A_489, %add3A_432, %dma_wait3A_490] : memref<4x8192x1024xf32, #tpu.memory_space<hbm>> -> memref<1x32x1024xf32, #tpu.memory_space<hbm>>
    %dma_wait3A_492 = tpu.memref_squeeze %dma_wait3A_491 : memref<1x32x1024xf32, #tpu.memory_space<hbm>> -> memref<32x1024xf32, #tpu.memory_space<hbm>>
    %dma_wait3A_493 = arith.constant 0 : i32
    %dma_wait3A_494 = tpu.memref_slice %arg3[%dma_wait3A_489, %add3A_432, %dma_wait3A_493] : memref<4x8192x1024xf32, #tpu.memory_space<hbm>> -> memref<1x32x1024xf32, #tpu.memory_space<hbm>>
    %dma_wait3A_495 = tpu.memref_squeeze %dma_wait3A_494 : memref<1x32x1024xf32, #tpu.memory_space<hbm>> -> memref<32x1024xf32, #tpu.memory_space<hbm>>
    tpu.wait_dma2 semaphore(%arg11 : memref<!tpu.dma_semaphore, #tpu.memory_space<semaphore_mem>>) src(%arg5 : memref<32x1024xf32, #tpu.memory_space<vmem>>) dst(%dma_wait3A_495 : memref<32x1024xf32, #tpu.memory_space<hbm>>)
    %dma_wait3A_496 = arith.constant 1 : i32
    %dma_wait3A_497 = arith.constant 0 : i32
    %dma_wait3A_498 = tpu.memref_slice %arg3[%dma_wait3A_496, %add3A_432, %dma_wait3A_497] : memref<4x8192x1024xf32, #tpu.memory_space<hbm>> -> memref<1x32x1024xf32, #tpu.memory_space<hbm>>
    %dma_wait3A_499 = tpu.memref_squeeze %dma_wait3A_498 : memref<1x32x1024xf32, #tpu.memory_space<hbm>> -> memref<32x1024xf32, #tpu.memory_space<hbm>>
    %dma_wait3A_500 = arith.constant 0 : i32
    %dma_wait3A_501 = tpu.memref_slice %arg3[%dma_wait3A_496, %add3A_432, %dma_wait3A_500] : memref<4x8192x1024xf32, #tpu.memory_space<hbm>> -> memref<1x32x1024xf32, #tpu.memory_space<hbm>>
    %dma_wait3A_502 = tpu.memref_squeeze %dma_wait3A_501 : memref<1x32x1024xf32, #tpu.memory_space<hbm>> -> memref<32x1024xf32, #tpu.memory_space<hbm>>
    tpu.wait_dma2 semaphore(%arg11 : memref<!tpu.dma_semaphore, #tpu.memory_space<semaphore_mem>>) src(%arg5 : memref<32x1024xf32, #tpu.memory_space<vmem>>) dst(%dma_wait3A_502 : memref<32x1024xf32, #tpu.memory_space<hbm>>)
    %dma_wait3A_503 = arith.constant 2 : i32
    %dma_wait3A_504 = arith.constant 0 : i32
    %dma_wait3A_505 = tpu.memref_slice %arg3[%dma_wait3A_503, %add3A_432, %dma_wait3A_504] : memref<4x8192x1024xf32, #tpu.memory_space<hbm>> -> memref<1x32x1024xf32, #tpu.memory_space<hbm>>
    %dma_wait3A_506 = tpu.memref_squeeze %dma_wait3A_505 : memref<1x32x1024xf32, #tpu.memory_space<hbm>> -> memref<32x1024xf32, #tpu.memory_space<hbm>>
    %dma_wait3A_507 = arith.constant 0 : i32
    %dma_wait3A_508 = tpu.memref_slice %arg3[%dma_wait3A_503, %add3A_432, %dma_wait3A_507] : memref<4x8192x1024xf32, #tpu.memory_space<hbm>> -> memref<1x32x1024xf32, #tpu.memory_space<hbm>>
    %dma_wait3A_509 = tpu.memref_squeeze %dma_wait3A_508 : memref<1x32x1024xf32, #tpu.memory_space<hbm>> -> memref<32x1024xf32, #tpu.memory_space<hbm>>
    tpu.wait_dma2 semaphore(%arg11 : memref<!tpu.dma_semaphore, #tpu.memory_space<semaphore_mem>>) src(%arg5 : memref<32x1024xf32, #tpu.memory_space<vmem>>) dst(%dma_wait3A_509 : memref<32x1024xf32, #tpu.memory_space<hbm>>)
    %dma_wait3A_510 = arith.constant 3 : i32
    %dma_wait3A_511 = arith.constant 0 : i32
    %dma_wait3A_512 = tpu.memref_slice %arg3[%dma_wait3A_510, %add3A_432, %dma_wait3A_511] : memref<4x8192x1024xf32, #tpu.memory_space<hbm>> -> memref<1x32x1024xf32, #tpu.memory_space<hbm>>
    %dma_wait3A_513 = tpu.memref_squeeze %dma_wait3A_512 : memref<1x32x1024xf32, #tpu.memory_space<hbm>> -> memref<32x1024xf32, #tpu.memory_space<hbm>>
    %dma_wait3A_514 = arith.constant 0 : i32
    %dma_wait3A_515 = tpu.memref_slice %arg3[%dma_wait3A_510, %add3A_432, %dma_wait3A_514] : memref<4x8192x1024xf32, #tpu.memory_space<hbm>> -> memref<1x32x1024xf32, #tpu.memory_space<hbm>>
    %dma_wait3A_516 = tpu.memref_squeeze %dma_wait3A_515 : memref<1x32x1024xf32, #tpu.memory_space<hbm>> -> memref<32x1024xf32, #tpu.memory_space<hbm>>
    tpu.wait_dma2 semaphore(%arg11 : memref<!tpu.dma_semaphore, #tpu.memory_space<semaphore_mem>>) src(%arg5 : memref<32x1024xf32, #tpu.memory_space<vmem>>) dst(%dma_wait3A_516 : memref<32x1024xf32, #tpu.memory_space<hbm>>)
    %dma_wait3A_517 = arith.constant 0 : i32
    %dma_wait3A_518 = arith.constant 0 : i32
    %dma_wait3A_519 = tpu.memref_slice %arg3[%dma_wait3A_517, %add3A_330, %dma_wait3A_518] : memref<4x8192x1024xf32, #tpu.memory_space<hbm>> -> memref<1x32x1024xf32, #tpu.memory_space<hbm>>
    %dma_wait3A_520 = tpu.memref_squeeze %dma_wait3A_519 : memref<1x32x1024xf32, #tpu.memory_space<hbm>> -> memref<32x1024xf32, #tpu.memory_space<hbm>>
    %dma_wait3A_521 = arith.constant 0 : i32
    %dma_wait3A_522 = tpu.memref_slice %arg3[%dma_wait3A_517, %add3A_330, %dma_wait3A_521] : memref<4x8192x1024xf32, #tpu.memory_space<hbm>> -> memref<1x32x1024xf32, #tpu.memory_space<hbm>>
    %dma_wait3A_523 = tpu.memref_squeeze %dma_wait3A_522 : memref<1x32x1024xf32, #tpu.memory_space<hbm>> -> memref<32x1024xf32, #tpu.memory_space<hbm>>
    tpu.wait_dma2 semaphore(%arg12 : memref<!tpu.dma_semaphore, #tpu.memory_space<semaphore_mem>>) src(%arg6 : memref<32x1024xf32, #tpu.memory_space<vmem>>) dst(%dma_wait3A_523 : memref<32x1024xf32, #tpu.memory_space<hbm>>)
    %dma_wait3A_524 = arith.constant 1 : i32
    %dma_wait3A_525 = arith.constant 0 : i32
    %dma_wait3A_526 = tpu.memref_slice %arg3[%dma_wait3A_524, %add3A_330, %dma_wait3A_525] : memref<4x8192x1024xf32, #tpu.memory_space<hbm>> -> memref<1x32x1024xf32, #tpu.memory_space<hbm>>
    %dma_wait3A_527 = tpu.memref_squeeze %dma_wait3A_526 : memref<1x32x1024xf32, #tpu.memory_space<hbm>> -> memref<32x1024xf32, #tpu.memory_space<hbm>>
    %dma_wait3A_528 = arith.constant 0 : i32
    %dma_wait3A_529 = tpu.memref_slice %arg3[%dma_wait3A_524, %add3A_330, %dma_wait3A_528] : memref<4x8192x1024xf32, #tpu.memory_space<hbm>> -> memref<1x32x1024xf32, #tpu.memory_space<hbm>>
    %dma_wait3A_530 = tpu.memref_squeeze %dma_wait3A_529 : memref<1x32x1024xf32, #tpu.memory_space<hbm>> -> memref<32x1024xf32, #tpu.memory_space<hbm>>
    tpu.wait_dma2 semaphore(%arg12 : memref<!tpu.dma_semaphore, #tpu.memory_space<semaphore_mem>>) src(%arg6 : memref<32x1024xf32, #tpu.memory_space<vmem>>) dst(%dma_wait3A_530 : memref<32x1024xf32, #tpu.memory_space<hbm>>)
    %dma_wait3A_531 = arith.constant 2 : i32
    %dma_wait3A_532 = arith.constant 0 : i32
    %dma_wait3A_533 = tpu.memref_slice %arg3[%dma_wait3A_531, %add3A_330, %dma_wait3A_532] : memref<4x8192x1024xf32, #tpu.memory_space<hbm>> -> memref<1x32x1024xf32, #tpu.memory_space<hbm>>
    %dma_wait3A_534 = tpu.memref_squeeze %dma_wait3A_533 : memref<1x32x1024xf32, #tpu.memory_space<hbm>> -> memref<32x1024xf32, #tpu.memory_space<hbm>>
    %dma_wait3A_535 = arith.constant 0 : i32
    %dma_wait3A_536 = tpu.memref_slice %arg3[%dma_wait3A_531, %add3A_330, %dma_wait3A_535] : memref<4x8192x1024xf32, #tpu.memory_space<hbm>> -> memref<1x32x1024xf32, #tpu.memory_space<hbm>>
    %dma_wait3A_537 = tpu.memref_squeeze %dma_wait3A_536 : memref<1x32x1024xf32, #tpu.memory_space<hbm>> -> memref<32x1024xf32, #tpu.memory_space<hbm>>
    tpu.wait_dma2 semaphore(%arg12 : memref<!tpu.dma_semaphore, #tpu.memory_space<semaphore_mem>>) src(%arg6 : memref<32x1024xf32, #tpu.memory_space<vmem>>) dst(%dma_wait3A_537 : memref<32x1024xf32, #tpu.memory_space<hbm>>)
    %dma_wait3A_538 = arith.constant 3 : i32
    %dma_wait3A_539 = arith.constant 0 : i32
    %dma_wait3A_540 = tpu.memref_slice %arg3[%dma_wait3A_538, %add3A_330, %dma_wait3A_539] : memref<4x8192x1024xf32, #tpu.memory_space<hbm>> -> memref<1x32x1024xf32, #tpu.memory_space<hbm>>
    %dma_wait3A_541 = tpu.memref_squeeze %dma_wait3A_540 : memref<1x32x1024xf32, #tpu.memory_space<hbm>> -> memref<32x1024xf32, #tpu.memory_space<hbm>>
    %dma_wait3A_542 = arith.constant 0 : i32
    %dma_wait3A_543 = tpu.memref_slice %arg3[%dma_wait3A_538, %add3A_330, %dma_wait3A_542] : memref<4x8192x1024xf32, #tpu.memory_space<hbm>> -> memref<1x32x1024xf32, #tpu.memory_space<hbm>>
    %dma_wait3A_544 = tpu.memref_squeeze %dma_wait3A_543 : memref<1x32x1024xf32, #tpu.memory_space<hbm>> -> memref<32x1024xf32, #tpu.memory_space<hbm>>
    tpu.wait_dma2 semaphore(%arg12 : memref<!tpu.dma_semaphore, #tpu.memory_space<semaphore_mem>>) src(%arg6 : memref<32x1024xf32, #tpu.memory_space<vmem>>) dst(%dma_wait3A_544 : memref<32x1024xf32, #tpu.memory_space<hbm>>)
    return
  }
}

</mosaic_0001>

<sc_bundles>
// kernel: kernel.3.cloned.1.call-start
scs
__scs_entry_jumppad:
0x0: {  	(pc) =	sbr.rel $0x88, $3  }
0x1: {  	(tag) =	ssettag $0x0;
	lr =	simm.s32 $0x1  }
0x2: {  	[smem:$0x3FA0] =	sst lr;
	_ =	strace $0xD0000000  }
0x3: {  	_ = 	snop  }
0x4: {  	_ = 	snop  }
0x5: {  	_ = 	snop  }
0x6: {  	_ = 	snop  }
0x7: {  	_ = 	snop  }
__scs_overlays_trampoline_lowered:
0x8: {  	[smem:$0x3FAF] =	sst s0  }
0x9: {  	[smem:$0x3FB0] =	sst s1  }
0xa: {  	[smem:$0x3FB1] =	sst s2  }
0xb: {  	[smem:$0x3FB2] =	sst s3  }
0xc: {  	[smem:$0x3FB3] =	sst s4  }
0xd: {  	[smem:$0x3FB4] =	sst s5  }
0xe: {  	[smem:$0x3FB5] =	sst s6  }
0xf: {  	[smem:$0x3FB6] =	sst s7  }
0x10: {  	[smem:$0x3FB7] =	sst s8  }
0x11: {  	[smem:$0x3FB8] =	sst s9;
	s0 =	simm.s32 @!p0 $0x0  }
0x12: {  	s1 =	sld [smem:$0x3F9E];
	s0 =	simm.s32 @p0 $0x1  }
0x13: {  	[smem:$0x3FB9] =	sst s0;
	s0 =	simm.s32 @!p1 $0x0  }
0x14: {  	s2 =	sld [smem:$0x3F9D];
	s0 =	simm.s32 @p1 $0x1  }
0x15: {  	[smem:$0x3FBA] =	sst s0;
	s0 =	simm.s32 @!p2 $0x0  }
0x16: {  	s3 =	sld [smem:$0x3FDB];
	s0 =	simm.s32 @p2 $0x1  }
0x17: {  	s4 =	simm.s32 $0x1BF5;
	[smem:$0x3FBC] =	sst s0  }
0x18: {  	s0 =	sld [smem:$0x3F9F];
	_ =	swait.ge [sflag:s4], $0x0  }
0x19: {  	s7 =	sld [smem:$0x3FA0]  }
0x1a: {  	s8 =	sadd.s32 $0xFFFFE003, lr  }
0x1b: {  	s9 =	sadd.s32 $0xFFFFFEF7, lr;
	s5 =	simm.s32 $0xFFFFFFFF;
	p2 =	slt.u32 s8, $0xFFFFF086  }
0x1c: {  	p1 =	slt.u32 s9, $0xF7A;
	s5 =	simm.s32 @!p2 $0x0  }
0x1d: {  	s5 =	simm.s32 @p1 $0x1;
	p0 =	seq.s32 s7, s2  }
0x1e: {  	s7 =	smul.u32 @!p0 $0xF7A, s2;
	p2 =	seq.s32 @!p0 s5, $0x0  }
0x1f: {  	s9 =	smul.u32 $0xF7A, s1;
	s8 =	simm.s32 @!p0 $0x1BF5;
	p2 =	por !p2, p0  }
0x20: {  	[sflag:s8] =	ssyncset.s32 @!p0 $0xFFFFF086;
	s6 =	sadd.s32 @!p0 s3, s7;
	s7 =	simm.s32 @!p0 $0x108  }
0x21: {  	s3 =	sadd.s32 s3, s9;
	s6 =	sadd.s32 @!p0 $0x88, s6;
	s7 =	simm.s32 @p2 $0x1082  }
0x22: {  	[simem:s7], [sflag:s8] =	dma.local @!p0 [hbm:s6], $0xF7A  }
0x23: {  	s9 =	sor.u32 $0xD0000000, s2;
	s6 =	simm.s32 $0x108;
	_ =	swait.ge @!p0 [sflag:s8], $0x0  }
0x24: {  	s3 =	sadd.s32 $0x88, s3;
	s6 =	simm.s32 @!p1 $0x1082;
	[sflag:s4] =	ssyncset.s32 $0xFFFFF086  }
0x25: {  	[simem:s6], [sflag:s4] =	dma.local [hbm:s3], $0xF7A  }
0x26: {  	[smem:$0x3FA0] =	sst s1;
	(tag) =	ssettag s2;
	_ =	strace s9  }
0x27: {  	s1 =	sld [smem:$0x3FB0]  }
0x28: {  	s2 =	sld [smem:$0x3FB1]  }
0x29: {  	s4 =	sld [smem:$0x3FB3]  }
0x2a: {  	p0 =	seq.s32 s5, $0x0;
	s5 =	sld [smem:$0x3FB4]  }
0x2b: {  	s6 =	sld [smem:$0x3FB5]  }
0x2c: {  	s7 =	sld [smem:$0x3FB6]  }
0x2d: {  	s3 =	simm.s32 $0x108;
	s8 =	sld [smem:$0x3FB7]  }
0x2e: {  	s3 =	simm.s32 @!p0 $0x1082;
	s9 =	sld [smem:$0x3FB8]  }
0x2f: {  	lr =	sadd.s32 s0, s3;
	s0 =	sld [smem:$0x3FAF]  }
0x30: {  	s3 =	sld [smem:$0x3FB2]  }
0x31: {  	[smem:$0x3FBB] =	sst s10  }
0x32: {  	s10 =	sld [smem:$0x3FB9];
	_ =	sdelay $0x3  }
0x33: {  	p0 =	seq.s32 s10, $0x1;
	s10 =	sld [smem:$0x3FBB];
	_ =	sdelay $0x3  }
0x34: {  	[smem:$0x3FBB] =	sst s10  }
0x35: {  	s10 =	sld [smem:$0x3FBA];
	_ =	sdelay $0x3  }
0x36: {  	p1 =	seq.s32 s10, $0x1;
	s10 =	sld [smem:$0x3FBB];
	_ =	sdelay $0x3  }
0x37: {  	[smem:$0x3FBB] =	sst s10  }
0x38: {  	s10 =	sld [smem:$0x3FBC]  }
0x39: {  	_ = 	snop;
	(pc) =	sbr.ind lr, $3  }
0x3a: {  	_ = 	snop  }
0x3b: {  	_ = 	snop  }
0x3c: {  	p2 =	seq.s32 s10, $0x1;
	s10 =	sld [smem:$0x3FBB]  }
0x3d: {  	_ =	shalt  }
0x3e: {  	_ =	shalt  }
0x3f: {  	_ =	shalt  }
0x40: {  	_ =	shalt  }
0x41: {  	_ =	shalt  }
0x42: {  	_ =	shalt  }
0x43: {  	_ =	shalt  }
0x44: {  	_ =	shalt  }
0x45: {  	_ =	shalt  }
0x46: {  	_ =	shalt  }
0x47: {  	_ =	shalt  }
0x48: {  	_ =	shalt  }
0x49: {  	_ =	shalt  }
0x4a: {  	_ =	shalt  }
0x4b: {  	_ =	shalt  }
0x4c: {  	_ =	shalt  }
0x4d: {  	_ =	shalt  }
0x4e: {  	_ =	shalt  }
0x4f: {  	_ =	shalt  }
0x50: {  	_ =	shalt  }
0x51: {  	_ =	shalt  }
0x52: {  	_ =	shalt  }
0x53: {  	_ =	shalt  }
0x54: {  	_ =	shalt  }
0x55: {  	_ =	shalt  }
0x56: {  	_ =	shalt  }
0x57: {  	_ =	shalt  }
0x58: {  	_ =	shalt  }
0x59: {  	_ =	shalt  }
0x5a: {  	_ =	shalt  }
0x5b: {  	_ =	shalt  }
0x5c: {  	_ =	shalt  }
0x5d: {  	_ =	shalt  }
0x5e: {  	_ =	shalt  }
0x5f: {  	_ =	shalt  }
0x60: {  	_ =	shalt  }
0x61: {  	_ =	shalt  }
0x62: {  	_ =	shalt  }
0x63: {  	_ =	shalt  }
0x64: {  	_ =	shalt  }
0x65: {  	_ =	shalt  }
0x66: {  	_ =	shalt  }
0x67: {  	_ =	shalt  }
0x68: {  	_ =	shalt  }
0x69: {  	_ =	shalt  }
0x6a: {  	_ =	shalt  }
0x6b: {  	_ =	shalt  }
0x6c: {  	_ =	shalt  }
0x6d: {  	_ =	shalt  }
0x6e: {  	_ =	shalt  }
0x6f: {  	_ =	shalt  }
0x70: {  	_ =	shalt  }
0x71: {  	_ =	shalt  }
0x72: {  	_ =	shalt  }
0x73: {  	_ =	shalt  }
0x74: {  	_ =	shalt  }
0x75: {  	_ =	shalt  }
0x76: {  	_ =	shalt  }
0x77: {  	_ =	shalt  }
0x78: {  	_ =	shalt  }
0x79: {  	_ =	shalt  }
0x7a: {  	_ =	shalt  }
0x7b: {  	_ =	shalt  }
0x7c: {  	_ =	shalt  }
0x7d: {  	_ =	shalt  }
0x7e: {  	_ =	shalt  }
0x7f: {  	_ =	shalt  }
0x80: {  	_ =	shalt  }
0x81: {  	_ =	shalt  }
0x82: {  	_ =	shalt  }
0x83: {  	_ =	shalt  }
0x84: {  	_ =	shalt  }
0x85: {  	_ =	shalt  }
0x86: {  	_ =	shalt  }
0x87: {  	_ =	shalt  }
.Lfunc_end0:
.L_simem_size_0:
called_computation_lowered:
.L_overlay_start_0:
0x88: {  	s2 =	sld [smem:$0x3FD9]  }
0x89: {  	s3 =	sld [smem:$0x3FFE];
	_ =	sdelay $0x1  }
0x8a: {  	s1 =	srdreg.scid  }
0x8b: {  	s0 =	sand.u32 $0x1, s1  }
0x8c: {  	s18 =	sshll.u32 s0, $0xA;
	s2 =	sadd.s32 s3, s2  }
0x8d: {  	s2 =	sadd.s32 s2, s18  }
0x8e: {  	[smem:$0x3FC7] =	sst s2  }
0x8f: {  	_ = 	snop  }
0x90: {  	s2 =	sld [smem:$0x3FC9]  }
0x91: {  	s19 =	sld [smem:$0x3FD0];
	(tm) =	ssettm $0x1  }
0x92: {  	s4 =	sld [smem:$0x3FFB];
	_ =	sdelay $0x3  }
0x93: {  	_ =	strace s4  }
0x94: {  	s4 =	sld [smem:$0x3FFC];
	_ =	sdelay $0x3  }
0x95: {  	_ =	strace s4  }
0x96: {  	s4 =	sld [smem:$0x3FFD];
	_ =	sdelay $0x3  }
0x97: {  	_ =	strace s4  }
0x98: {  	_ =	strace $0x8FFFFFFF  }
0x99: {  	s20 =	sld [smem:$0x3FDB];
	_ =	sdelay $0x1  }
0x9a: {  	s5 =	simm.s32 $_scs_section_size  }
0x9b: {  	s6 =	simm.s32 $_size__tile_overlayer_lowered;
	s7 =	simm.s32 $_tile_overlayer_lowered  }
0x9c: {  	s23 =	simm.s32 $0x1BFF;
	s22 =	sshll.u32 s7, $0x1;
	s4 =	sadd.s32 s5, s20  }
0x9d: {  	s8 =	simm.s32 $0x0;
	s21 =	sshll.u32 s6, $0x1;
	s6 =	sadd.s32 s22, s4  }
0x9e: {  	[timem:s8], [sflag:s23] =	dma.local [hbm:s6], s21  }
0x9f: {  	_ =	swait.ge [sflag:s23], s21  }
0xa0: {  	s5 =	ssub.s32 $0x0, s21;
	[sflag:s23] =	ssyncset.done $0x0  }
0xa1: {  	[sflag:s23] =	ssyncadd.s32 s5;
	_ =	sdelay $0x1  }
0xa2: {  	s24 =	simm.s32 $0x1B8B  }
0xa3: {  	_ =	swait.ge [sflag:s24], $0x1  }
0xa4: {  	[sflag:s24] =	ssyncset.done $0x0  }
0xa5: {  	s25 =	simm.s32 $0x1B8E;
	[sflag:s24] =	ssyncadd.s32 $0xFFFFFFFF  }
0xa6: {  	s26 =	simm.s32 $execute0_lowered;
	[smem:$0x3FD2] =	sst s25  }
0xa7: {  	s5 =	sshll.u32 s26, $0x1;
	_ =	strace $0x80000046;
	[dreg:$0x1] =	wrdreg $0xFFFFFFFF  }
0xa8: {  	s28 =	simm.s32 $_size_execute0_lowered;
	s4 =	sadd.s32 s4, s5;
	[dreg:$0x0] =	wrdreg $0x0  }
0xa9: {  	s5 =	sshll.u32 s28, $0x1;
	[dreg:$0x2] =	wrdreg s4  }
0xaa: {  	[dreg:$0x3] =	wrdreg s5  }
0xab: {  	[dreg:$0x4] =	wrdreg $0xC0  }
0xac: {  	_ =	task [dreg:s8], $0x5FFFF  }
0xad: {  	[dreg:$0x1] =	wrdreg $0xFFFFFFFF  }
0xae: {  	[dreg:$0x0] =	wrdreg $0x60  }
0xaf: {  	[dreg:$0x2] =	wrdreg s2  }
0xb0: {  	[dreg:$0x3] =	wrdreg s19  }
0xb1: {  	[dreg:$0x4] =	wrdreg $0x9  }
0xb2: {  	_ =	task.clear_ibuf [dreg:s8], $0x5FFFF;
	_ =	strace $0x90000046  }
0xb3: {  	s29 =	simm.s32 $0x9;
	_ =	strace $0x80000048  }
0xb4: {  	_ =	swait.ge [sflag:s29], $0x1  }
0xb5: {  	[sflag:s29] =	ssyncadd.s32 $0xFFFFFFFF  }
0xb6: {  	_ =	strace $0x90000048  }
0xb7: {  	_ =	sfence  }
0xb8: {  	s30 =	sld [smem:$0x0];
	_ =	sdelay $0x2  }
0xb9: {  	s31 =	sshll.u32 s1, $0xD;
	s1 =	sshrl.u32 s1, $0x2  }
0xba: {  	s3 =	sand.u32 $0x4000, s31;
	s1 =	sadd.s32 s1, s30  }
0xbb: {  	s0 =	sor.u32 s3, s0;
	s1 =	sshll.u32 s1, $0x11  }
0xbc: {  	s0 =	sor.u32 s1, s0  }
0xbd: {  	s0 =	sadd.s32 $0x8F2B, s0  }
0xbe: {  	[sflag:s0] =	ssyncadd.remote.s32 $0x1  }
0xbf: {  	_ =	sfence.sel $0xFFFF  }
0xc0: {  	[dreg:$0x0] =	wrdreg $0xFFFFFFFF;
	(pc) =	sbr.abs _section_cstart, $3  }
0xc1: {  	[dreg:$0x1] =	wrdreg $0xFFFFFFFF  }
0xc2: {  	_ =	task.clear_ibuf [dreg:s8], $0x2FFFF;
	_ =	strace $0x9FFFFFFF  }
0xc3: {  	(tm) =	ssettm $0x7FFFFFFF  }
tec
execute0_lowered:
.L_overlay_start_1:
0x0: {  	(tag) =	ssettag $0x1  }
0x1: {  	s3 =	rddreg [dreg:$0x0];
	s1 =	srdreg.scid  }
0x2: {  	s0 =	rddreg [dreg:$0x1];
	s4 =	stileid.u32;
	s1 =	sand.u32 $0x1, s1  }
0x3: {  	s2 =	simm.s32 $0x0;
	s4 =	sshll.u32 s4, $0x10;
	s5 =	sshll.u32 s1, $0xF  }
0x4: {  	[smem:$0x7FF] =	sst s2;
	s4 =	sor.u32 s5, s4  }
0x5: {  	_ =	strace $0x80000047;
	s5 =	sadd.s32 s3, s4;
	s6 =	sor.u32 $0x1000, s4  }
0x6: {  	s31 =	sadd.s32 s0, s4;
	[dreg:$0x3] =	wrdreg s5;
	s11 =	sadd.s32 s3, s6  }
0x7: {  	s12 =	sadd.s32 $0x100000, s31;
	[dreg:$0x4] =	wrdreg s11  }
0x8: {  	s13 =	sadd.s32 $0x200000, s31;
	[dreg:$0x5] =	wrdreg s12  }
0x9: {  	s7 =	sor.u32 $0x2000, s4;
	s14 =	sadd.s32 $0x300000, s31;
	[dreg:$0x6] =	wrdreg s13  }
0xa: {  	s15 =	sadd.s32 s3, s7;
	[dreg:$0x7] =	wrdreg s14  }
0xb: {  	s16 =	sadd.s32 s0, s6;
	[dreg:$0x8] =	wrdreg s15  }
0xc: {  	s17 =	sadd.s32 $0x101000, s31;
	[dreg:$0x9] =	wrdreg s16  }
0xd: {  	p0 =	por $0x0, $0x0;
	s18 =	sadd.s32 $0x201000, s31;
	[dreg:$0xa] =	wrdreg s17  }
0xe: {  	s20 =	sor.u32 $0x3000, s4;
	s19 =	sadd.s32 $0x301000, s31;
	[dreg:$0xb] =	wrdreg s18  }
0xf: {  	s29 =	simm.s32 $0x10000;
	s21 =	sadd.s32 s3, s20;
	[dreg:$0xc] =	wrdreg s19  }
0x10: {  	s30 =	simm.s32 $0x3;
	s22 =	sadd.s32 s0, s7;
	[dreg:$0xd] =	wrdreg s21  }
0x11: {  	s1 =	ssub.s32 $0x2, s1;
	s23 =	sadd.s32 $0x102000, s31;
	[dreg:$0xe] =	wrdreg s22  }
0x12: {  	s26 =	sor.u32 $0x4000, s4;
	s24 =	sadd.s32 $0x202000, s31;
	[dreg:$0xf] =	wrdreg s23  }
0x13: {  	s25 =	sadd.s32 $0x302000, s31;
	s8 =	sadd.s32 s3, s26;
	[dreg:$0x10] =	wrdreg s24  }
0x14: {  	s9 =	sadd.s32 s0, s20;
	s10 =	sadd.s32 $0x103000, s31;
	[dreg:$0x11] =	wrdreg s25  }
0x15: {  	s20 =	sadd.s32 $0x205000, s31;
	s7 =	sadd.s32 $0x107000, s31;
	[dreg:$0x12] =	wrdreg s8  }
0x16: {  	s5 =	simm.s32 $0x4;
	[dreg:$0x13] =	wrdreg s9;
	s11 =	sshrl.u32 s1, $0x1  }
0x17: {  	[dreg:$0x14] =	wrdreg s10;
	s12 =	sadd.s32 $0x203000, s31;
	s13 =	sadd.s32 $0x303000, s31  }
0x18: {  	s8 =	sor.u32 $0x5000, s4;
	s23 =	sadd.s32 s0, s26;
	s24 =	sadd.s32 $0x104000, s31  }
0x19: {  	s14 =	sor.u32 $0x6000, s4;
	s25 =	sadd.s32 $0x204000, s31;
	s26 =	sadd.s32 $0x304000, s31  }
0x1a: {  	s19 =	sadd.s32 $0x105000, s31;
	s4 =	sor.u32 $0x7000, s4;
	s21 =	sadd.s32 $0x305000, s31  }
0x1b: {  	s9 =	sadd.s32 $0x307000, s31;
	s10 =	simm.s32 $0x8000;
	s1 =	ssub.s32 s1, s11  }
0x1c: {  	s17 =	simm.s32 $0x1;
	[dreg:$0x15] =	wrdreg s12;
	s16 =	smax.u32 s1, $0x1  }
0x1d: {  	[dreg:$0x16] =	wrdreg s13;
	s28 =	sadd.s32 s3, s8;
	p1 =	sne.s32 s16, $0x1  }
.Ltmp0:
0x1e: {  	s22 =	sadd.s32 s3, s14;
	s18 =	sadd.s32 s0, s8;
	(pc) =	sbr.rel @!p1 .LBB2_5-.Ltmp0, $4  }
0x1f: {  	s15 =	sadd.s32 s3, s4;
	s11 =	sadd.s32 s0, s14;
	s12 =	sadd.s32 $0x106000, s31  }
0x20: {  	s13 =	sadd.s32 $0x206000, s31;
	s14 =	sadd.s32 $0x306000, s31;
	s6 =	sadd.s32 s0, s4  }
0x21: {  	s8 =	sadd.s32 $0x207000, s31;
	s4 =	simm.s32 $0x5;
	s3 =	simm.s32 $0x6  }
0x22: {  	s1 =	rddreg [dreg:$0x3];
	s0 =	sadd.s32 $0xFFFFFFFF, s16;
	s16 =	simm.s32 $0x2  }
0x23: {  	[dreg:$0x18] =	wrdreg s0  }
0x24: {  	[tilespmem:s2], [sflag:$0x1] =	stream.linear.gather [hbm4b:s1+s2], $0x8000, $0x38;
	[tilespmem:$0x18000] =	vst v63  }
0x25: {  	s0 =	rddreg [dreg:$0x4]  }
0x26: {  	[tilespmem:s10], [sflag:$0x2] =	stream.linear.gather [hbm4b:s0+s2], $0x8000, $0x38;
	[tilespmem:$0x18000] =	vst v63  }
0x27: {  	_ =	swait.ge [sflag:s17], $0x8000  }
0x28: {  	[sflag:s17] =	ssyncset.done $0x0  }
0x29: {  	[sflag:s17] =	ssyncadd.s32 $0xFFFF8000  }
0x2a: {  	[hbm4b:s31+s2] =	stream.linear.scatter [tilespmem:s2], [sflag:$0x4], $0x8000, $0x38;
	[tilespmem:$0x18000] =	vst v63  }
0x2b: {  	s0 =	rddreg [dreg:$0x5]  }
0x2c: {  	[hbm4b:s0+s2] =	stream.linear.scatter [tilespmem:s2], [sflag:$0x4], $0x8000, $0x38;
	[tilespmem:$0x18000] =	vst v63  }
0x2d: {  	s1 =	rddreg [dreg:$0x6]  }
0x2e: {  	[hbm4b:s1+s2] =	stream.linear.scatter [tilespmem:s2], [sflag:$0x4], $0x8000, $0x38;
	[tilespmem:$0x18000] =	vst v63  }
0x2f: {  	s0 =	rddreg [dreg:$0x7]  }
0x30: {  	[hbm4b:s0+s2] =	stream.linear.scatter [tilespmem:s2], [sflag:$0x4], $0x8000, $0x38;
	[tilespmem:$0x18000] =	vst v63  }
0x31: {  	s1 =	rddreg [dreg:$0x8]  }
0x32: {  	[tilespmem:s29], [sflag:$0x3] =	stream.linear.gather [hbm4b:s1+s2], $0x8000, $0x38;
	[tilespmem:$0x18000] =	vst v63  }
0x33: {  	_ =	swait.ge [sflag:s16], $0x8000  }
0x34: {  	[sflag:s16] =	ssyncset.done $0x0  }
0x35: {  	s0 =	rddreg [dreg:$0x9];
	[sflag:s16] =	ssyncadd.s32 $0xFFFF8000  }
0x36: {  	[hbm4b:s0+s2] =	stream.linear.scatter [tilespmem:s10], [sflag:$0x5], $0x8000, $0x38;
	[tilespmem:$0x18000] =	vst v63  }
0x37: {  	s1 =	rddreg [dreg:$0xa]  }
0x38: {  	[hbm4b:s1+s2] =	stream.linear.scatter [tilespmem:s10], [sflag:$0x5], $0x8000, $0x38;
	[tilespmem:$0x18000] =	vst v63  }
0x39: {  	s0 =	rddreg [dreg:$0xb]  }
0x3a: {  	[hbm4b:s0+s2] =	stream.linear.scatter [tilespmem:s10], [sflag:$0x5], $0x8000, $0x38;
	[tilespmem:$0x18000] =	vst v63  }
0x3b: {  	s1 =	rddreg [dreg:$0xc]  }
0x3c: {  	[hbm4b:s1+s2] =	stream.linear.scatter [tilespmem:s10], [sflag:$0x5], $0x8000, $0x38;
	[tilespmem:$0x18000] =	vst v63  }
0x3d: {  	_ =	swait.ge [sflag:s5], $0x8000  }
0x3e: {  	[sflag:s5] =	ssyncset.done $0x0  }
0x3f: {  	[sflag:s5] =	ssyncadd.s32 $0xFFFF8000  }
0x40: {  	_ =	swait.ge [sflag:s5], $0x8000  }
0x41: {  	[sflag:s5] =	ssyncset.done $0x0  }
0x42: {  	[sflag:s5] =	ssyncadd.s32 $0xFFFF8000  }
0x43: {  	_ =	swait.ge [sflag:s5], $0x8000  }
0x44: {  	[sflag:s5] =	ssyncset.done $0x0  }
0x45: {  	[sflag:s5] =	ssyncadd.s32 $0xFFFF8000  }
0x46: {  	_ =	swait.ge [sflag:s5], $0x8000  }
0x47: {  	[sflag:s5] =	ssyncset.done $0x0  }
0x48: {  	s1 =	rddreg [dreg:$0xd];
	[sflag:s5] =	ssyncadd.s32 $0xFFFF8000  }
0x49: {  	[tilespmem:s2], [sflag:$0x1] =	stream.linear.gather [hbm4b:s1+s2], $0x8000, $0x38;
	[tilespmem:$0x18000] =	vst v63  }
0x4a: {  	_ =	swait.ge [sflag:s30], $0x8000  }
0x4b: {  	[sflag:s30] =	ssyncset.done $0x0  }
0x4c: {  	s0 =	rddreg [dreg:$0xe];
	[sflag:s30] =	ssyncadd.s32 $0xFFFF8000  }
0x4d: {  	[hbm4b:s0+s2] =	stream.linear.scatter [tilespmem:s29], [sflag:$0x6], $0x8000, $0x38;
	[tilespmem:$0x18000] =	vst v63  }
0x4e: {  	s1 =	rddreg [dreg:$0xf]  }
0x4f: {  	[hbm4b:s1+s2] =	stream.linear.scatter [tilespmem:s29], [sflag:$0x6], $0x8000, $0x38;
	[tilespmem:$0x18000] =	vst v63  }
0x50: {  	s0 =	rddreg [dreg:$0x10]  }
0x51: {  	[hbm4b:s0+s2] =	stream.linear.scatter [tilespmem:s29], [sflag:$0x6], $0x8000, $0x38;
	[tilespmem:$0x18000] =	vst v63  }
0x52: {  	s1 =	rddreg [dreg:$0x11]  }
0x53: {  	[hbm4b:s1+s2] =	stream.linear.scatter [tilespmem:s29], [sflag:$0x6], $0x8000, $0x38;
	[tilespmem:$0x18000] =	vst v63  }
0x54: {  	_ =	swait.ge [sflag:s4], $0x8000  }
0x55: {  	[sflag:s4] =	ssyncset.done $0x0  }
0x56: {  	[sflag:s4] =	ssyncadd.s32 $0xFFFF8000  }
0x57: {  	_ =	swait.ge [sflag:s4], $0x8000  }
0x58: {  	[sflag:s4] =	ssyncset.done $0x0  }
0x59: {  	[sflag:s4] =	ssyncadd.s32 $0xFFFF8000  }
0x5a: {  	_ =	swait.ge [sflag:s4], $0x8000  }
0x5b: {  	[sflag:s4] =	ssyncset.done $0x0  }
0x5c: {  	[sflag:s4] =	ssyncadd.s32 $0xFFFF8000  }
0x5d: {  	_ =	swait.ge [sflag:s4], $0x8000  }
0x5e: {  	[sflag:s4] =	ssyncset.done $0x0  }
0x5f: {  	s1 =	rddreg [dreg:$0x12];
	[sflag:s4] =	ssyncadd.s32 $0xFFFF8000  }
0x60: {  	[tilespmem:s10], [sflag:$0x2] =	stream.linear.gather [hbm4b:s1+s2], $0x8000, $0x38;
	[tilespmem:$0x18000] =	vst v63  }
0x61: {  	_ =	swait.ge [sflag:s17], $0x8000  }
0x62: {  	[sflag:s17] =	ssyncset.done $0x0  }
0x63: {  	s0 =	rddreg [dreg:$0x13];
	[sflag:s17] =	ssyncadd.s32 $0xFFFF8000  }
0x64: {  	[hbm4b:s0+s2] =	stream.linear.scatter [tilespmem:s2], [sflag:$0x4], $0x8000, $0x38;
	[tilespmem:$0x18000] =	vst v63  }
0x65: {  	s1 =	rddreg [dreg:$0x14]  }
0x66: {  	[hbm4b:s1+s2] =	stream.linear.scatter [tilespmem:s2], [sflag:$0x4], $0x8000, $0x38;
	[tilespmem:$0x18000] =	vst v63  }
0x67: {  	s0 =	rddreg [dreg:$0x15]  }
0x68: {  	[hbm4b:s0+s2] =	stream.linear.scatter [tilespmem:s2], [sflag:$0x4], $0x8000, $0x38;
	[tilespmem:$0x18000] =	vst v63  }
0x69: {  	s1 =	rddreg [dreg:$0x16]  }
0x6a: {  	[hbm4b:s1+s2] =	stream.linear.scatter [tilespmem:s2], [sflag:$0x4], $0x8000, $0x38;
	[tilespmem:$0x18000] =	vst v63  }
0x6b: {  	_ =	swait.ge [sflag:s3], $0x8000  }
0x6c: {  	[sflag:s3] =	ssyncset.done $0x0  }
0x6d: {  	[sflag:s3] =	ssyncadd.s32 $0xFFFF8000  }
0x6e: {  	_ =	swait.ge [sflag:s3], $0x8000  }
0x6f: {  	[sflag:s3] =	ssyncset.done $0x0  }
0x70: {  	[sflag:s3] =	ssyncadd.s32 $0xFFFF8000  }
0x71: {  	_ =	swait.ge [sflag:s3], $0x8000  }
0x72: {  	[sflag:s3] =	ssyncset.done $0x0  }
0x73: {  	[sflag:s3] =	ssyncadd.s32 $0xFFFF8000  }
0x74: {  	_ =	swait.ge [sflag:s3], $0x8000  }
0x75: {  	[sflag:s3] =	ssyncset.done $0x0  }
0x76: {  	[sflag:s3] =	ssyncadd.s32 $0xFFFF8000  }
0x77: {  	[tilespmem:s29], [sflag:$0x3] =	stream.linear.gather [hbm4b:s28+s2], $0x8000, $0x38;
	[tilespmem:$0x18000] =	vst v63  }
0x78: {  	_ =	swait.ge [sflag:s16], $0x8000  }
0x79: {  	[sflag:s16] =	ssyncset.done $0x0  }
0x7a: {  	[sflag:s16] =	ssyncadd.s32 $0xFFFF8000  }
0x7b: {  	[hbm4b:s23+s2] =	stream.linear.scatter [tilespmem:s10], [sflag:$0x5], $0x8000, $0x38;
	[tilespmem:$0x18000] =	vst v63  }
0x7c: {  	_ = 	snop  }
0x7d: {  	[hbm4b:s24+s2] =	stream.linear.scatter [tilespmem:s10], [sflag:$0x5], $0x8000, $0x38;
	[tilespmem:$0x18000] =	vst v63  }
0x7e: {  	_ = 	snop  }
0x7f: {  	[hbm4b:s25+s2] =	stream.linear.scatter [tilespmem:s10], [sflag:$0x5], $0x8000, $0x38;
	[tilespmem:$0x18000] =	vst v63  }
0x80: {  	_ = 	snop  }
0x81: {  	[hbm4b:s26+s2] =	stream.linear.scatter [tilespmem:s10], [sflag:$0x5], $0x8000, $0x38;
	[tilespmem:$0x18000] =	vst v63  }
0x82: {  	_ =	swait.ge [sflag:s5], $0x8000  }
0x83: {  	[sflag:s5] =	ssyncset.done $0x0  }
0x84: {  	[sflag:s5] =	ssyncadd.s32 $0xFFFF8000  }
0x85: {  	_ =	swait.ge [sflag:s5], $0x8000  }
0x86: {  	[sflag:s5] =	ssyncset.done $0x0  }
0x87: {  	[sflag:s5] =	ssyncadd.s32 $0xFFFF8000  }
0x88: {  	_ =	swait.ge [sflag:s5], $0x8000  }
0x89: {  	[sflag:s5] =	ssyncset.done $0x0  }
0x8a: {  	[sflag:s5] =	ssyncadd.s32 $0xFFFF8000  }
0x8b: {  	_ =	swait.ge [sflag:s5], $0x8000  }
0x8c: {  	[sflag:s5] =	ssyncset.done $0x0  }
0x8d: {  	[sflag:s5] =	ssyncadd.s32 $0xFFFF8000  }
0x8e: {  	[tilespmem:s2], [sflag:$0x1] =	stream.linear.gather [hbm4b:s22+s2], $0x8000, $0x38;
	[tilespmem:$0x18000] =	vst v63  }
0x8f: {  	_ =	swait.ge [sflag:s30], $0x8000  }
0x90: {  	[sflag:s30] =	ssyncset.done $0x0  }
0x91: {  	[sflag:s30] =	ssyncadd.s32 $0xFFFF8000  }
0x92: {  	[hbm4b:s18+s2] =	stream.linear.scatter [tilespmem:s29], [sflag:$0x6], $0x8000, $0x38;
	[tilespmem:$0x18000] =	vst v63  }
0x93: {  	_ = 	snop  }
0x94: {  	[hbm4b:s19+s2] =	stream.linear.scatter [tilespmem:s29], [sflag:$0x6], $0x8000, $0x38;
	[tilespmem:$0x18000] =	vst v63  }
0x95: {  	_ = 	snop  }
0x96: {  	[hbm4b:s20+s2] =	stream.linear.scatter [tilespmem:s29], [sflag:$0x6], $0x8000, $0x38;
	[tilespmem:$0x18000] =	vst v63  }
0x97: {  	_ = 	snop  }
0x98: {  	[hbm4b:s21+s2] =	stream.linear.scatter [tilespmem:s29], [sflag:$0x6], $0x8000, $0x38;
	[tilespmem:$0x18000] =	vst v63  }
0x99: {  	_ =	swait.ge [sflag:s4], $0x8000  }
0x9a: {  	[sflag:s4] =	ssyncset.done $0x0  }
0x9b: {  	[sflag:s4] =	ssyncadd.s32 $0xFFFF8000  }
0x9c: {  	_ =	swait.ge [sflag:s4], $0x8000  }
0x9d: {  	[sflag:s4] =	ssyncset.done $0x0  }
0x9e: {  	[sflag:s4] =	ssyncadd.s32 $0xFFFF8000  }
0x9f: {  	_ =	swait.ge [sflag:s4], $0x8000  }
0xa0: {  	[sflag:s4] =	ssyncset.done $0x0  }
0xa1: {  	[sflag:s4] =	ssyncadd.s32 $0xFFFF8000  }
0xa2: {  	_ =	swait.ge [sflag:s4], $0x8000  }
0xa3: {  	[sflag:s4] =	ssyncset.done $0x0  }
0xa4: {  	[sflag:s4] =	ssyncadd.s32 $0xFFFF8000  }
0xa5: {  	[tilespmem:s10], [sflag:$0x2] =	stream.linear.gather [hbm4b:s15+s2], $0x8000, $0x38;
	[tilespmem:$0x18000] =	vst v63  }
0xa6: {  	_ =	swait.ge [sflag:s17], $0x8000  }
0xa7: {  	[sflag:s17] =	ssyncset.done $0x0  }
0xa8: {  	[sflag:s17] =	ssyncadd.s32 $0xFFFF8000  }
0xa9: {  	[hbm4b:s11+s2] =	stream.linear.scatter [tilespmem:s2], [sflag:$0x4], $0x8000, $0x38;
	[tilespmem:$0x18000] =	vst v63  }
0xaa: {  	_ = 	snop  }
0xab: {  	[hbm4b:s12+s2] =	stream.linear.scatter [tilespmem:s2], [sflag:$0x4], $0x8000, $0x38;
	[tilespmem:$0x18000] =	vst v63  }
0xac: {  	_ = 	snop  }
0xad: {  	[hbm4b:s13+s2] =	stream.linear.scatter [tilespmem:s2], [sflag:$0x4], $0x8000, $0x38;
	[tilespmem:$0x18000] =	vst v63  }
0xae: {  	_ = 	snop  }
0xaf: {  	[hbm4b:s14+s2] =	stream.linear.scatter [tilespmem:s2], [sflag:$0x4], $0x8000, $0x38;
	[tilespmem:$0x18000] =	vst v63  }
0xb0: {  	_ =	swait.ge [sflag:s16], $0x8000  }
0xb1: {  	[sflag:s16] =	ssyncset.done $0x0  }
0xb2: {  	[sflag:s16] =	ssyncadd.s32 $0xFFFF8000  }
0xb3: {  	[hbm4b:s6+s2] =	stream.linear.scatter [tilespmem:s10], [sflag:$0x5], $0x8000, $0x38;
	[tilespmem:$0x18000] =	vst v63  }
0xb4: {  	_ = 	snop  }
0xb5: {  	[hbm4b:s7+s2] =	stream.linear.scatter [tilespmem:s10], [sflag:$0x5], $0x8000, $0x38;
	[tilespmem:$0x18000] =	vst v63  }
0xb6: {  	_ = 	snop  }
0xb7: {  	[hbm4b:s8+s2] =	stream.linear.scatter [tilespmem:s10], [sflag:$0x5], $0x8000, $0x38;
	[tilespmem:$0x18000] =	vst v63  }
0xb8: {  	_ = 	snop  }
0xb9: {  	[hbm4b:s9+s2] =	stream.linear.scatter [tilespmem:s10], [sflag:$0x5], $0x8000, $0x38;
	[tilespmem:$0x18000] =	vst v63  }
0xba: {  	_ =	swait.ge [sflag:s5], $0x8000  }
0xbb: {  	[sflag:s5] =	ssyncset.done $0x0  }
0xbc: {  	[sflag:s5] =	ssyncadd.s32 $0xFFFF8000  }
0xbd: {  	_ =	swait.ge [sflag:s5], $0x8000  }
0xbe: {  	[sflag:s5] =	ssyncset.done $0x0  }
0xbf: {  	[sflag:s5] =	ssyncadd.s32 $0xFFFF8000  }
0xc0: {  	_ =	swait.ge [sflag:s5], $0x8000  }
0xc1: {  	[sflag:s5] =	ssyncset.done $0x0  }
0xc2: {  	[sflag:s5] =	ssyncadd.s32 $0xFFFF8000  }
0xc3: {  	_ =	swait.ge [sflag:s5], $0x8000  }
0xc4: {  	[sflag:s5] =	ssyncset.done $0x0  }
0xc5: {  	[sflag:s5] =	ssyncadd.s32 $0xFFFF8000  }
0xc6: {  	_ =	swait.ge [sflag:s4], $0x8000  }
0xc7: {  	[sflag:s4] =	ssyncset.done $0x0  }
0xc8: {  	[sflag:s4] =	ssyncadd.s32 $0xFFFF8000  }
0xc9: {  	_ =	swait.ge [sflag:s4], $0x8000  }
0xca: {  	[sflag:s4] =	ssyncset.done $0x0  }
0xcb: {  	[sflag:s4] =	ssyncadd.s32 $0xFFFF8000  }
0xcc: {  	_ =	swait.ge [sflag:s4], $0x8000  }
0xcd: {  	[sflag:s4] =	ssyncset.done $0x0  }
0xce: {  	[sflag:s4] =	ssyncadd.s32 $0xFFFF8000  }
0xcf: {  	_ =	swait.ge [sflag:s4], $0x8000  }
0xd0: {  	[sflag:s4] =	ssyncset.done $0x0  }
0xd1: {  	[sflag:s4] =	ssyncadd.s32 $0xFFFF8000  }
0xd2: {  	_ =	swait.ge [sflag:s3], $0x8000  }
0xd3: {  	[sflag:s3] =	ssyncset.done $0x0  }
0xd4: {  	[sflag:s3] =	ssyncadd.s32 $0xFFFF8000  }
0xd5: {  	_ =	swait.ge [sflag:s3], $0x8000  }
0xd6: {  	[sflag:s3] =	ssyncset.done $0x0  }
0xd7: {  	[sflag:s3] =	ssyncadd.s32 $0xFFFF8000  }
0xd8: {  	_ =	swait.ge [sflag:s3], $0x8000  }
0xd9: {  	s1 =	rddreg [dreg:$0x18]  }
0xda: {  	p1 =	sne.s32 s1, $0x1  }
.Ltmp1:
0xdb: {  	_ = 	snop;
	(pc) =	sbr.rel @!p1 .LBB2_2-.Ltmp1, $4  }
0xdc: {  	[sflag:s3] =	ssyncset.done $0x0  }
0xdd: {  	[sflag:s3] =	ssyncadd.s32 $0xFFFF8000  }
0xde: {  	p0 =	por $0x1, $0x1;
	_ =	swait.ge [sflag:s3], $0x8000;
	[dreg:$0x17] =	wrdreg s31  }
0xdf: {  	s0 =	sadd.s32 $0xFFFFFFFF, s1;
	s1 =	rddreg [dreg:$0x3];
	[sflag:s3] =	ssyncset.done $0x0  }
.LBB2_3:
0xe0: {  	[sflag:s3] =	ssyncadd.s32 $0xFFFF8000;
	s31 =	smov.u32 s28;
	s28 =	smov.u32 s26  }
0xe1: {  	s26 =	smov.u32 s25;
	s25 =	smov.u32 s24;
	s24 =	smov.u32 s23  }
0xe2: {  	s23 =	smov.u32 s22;
	s22 =	smov.u32 s21;
	s21 =	smov.u32 s20  }
0xe3: {  	s20 =	smov.u32 s19;
	s19 =	smov.u32 s18;
	s18 =	smov.u32 s15  }
0xe4: {  	s15 =	smov.u32 s14;
	s14 =	smov.u32 s13;
	s13 =	smov.u32 s12  }
0xe5: {  	s12 =	smov.u32 s11;
	s11 =	smov.u32 s9;
	s9 =	smov.u32 s8  }
0xe6: {  	[tilespmem:s2], [sflag:$0x1] =	stream.linear.gather [hbm4b:s1+s2], $0x8000, $0x38;
	[tilespmem:$0x18000] =	vst v63  }
0xe7: {  	s8 =	smov.u32 s7;
	s7 =	smov.u32 s6;
	s6 =	rddreg [dreg:$0x4]  }
0xe8: {  	[tilespmem:s10], [sflag:$0x2] =	stream.linear.gather [hbm4b:s6+s2], $0x8000, $0x38;
	[tilespmem:$0x18000] =	vst v63  }
0xe9: {  	_ =	swait.ge [sflag:s17], $0x8000  }
0xea: {  	[sflag:s17] =	ssyncset.done $0x0  }
0xeb: {  	s6 =	rddreg [dreg:$0x17];
	[sflag:s17] =	ssyncadd.s32 $0xFFFF8000  }
0xec: {  	[hbm4b:s6+s2] =	stream.linear.scatter [tilespmem:s2], [sflag:$0x4], $0x8000, $0x38;
	[tilespmem:$0x18000] =	vst v63  }
0xed: {  	s1 =	rddreg [dreg:$0x5]  }
0xee: {  	[hbm4b:s1+s2] =	stream.linear.scatter [tilespmem:s2], [sflag:$0x4], $0x8000, $0x38;
	[tilespmem:$0x18000] =	vst v63  }
0xef: {  	s6 =	rddreg [dreg:$0x6]  }
0xf0: {  	[hbm4b:s6+s2] =	stream.linear.scatter [tilespmem:s2], [sflag:$0x4], $0x8000, $0x38;
	[tilespmem:$0x18000] =	vst v63  }
0xf1: {  	s1 =	rddreg [dreg:$0x7]  }
0xf2: {  	[hbm4b:s1+s2] =	stream.linear.scatter [tilespmem:s2], [sflag:$0x4], $0x8000, $0x38;
	[tilespmem:$0x18000] =	vst v63  }
0xf3: {  	s6 =	rddreg [dreg:$0x8]  }
0xf4: {  	[tilespmem:s29], [sflag:$0x3] =	stream.linear.gather [hbm4b:s6+s2], $0x8000, $0x38;
	[tilespmem:$0x18000] =	vst v63  }
0xf5: {  	_ =	swait.ge [sflag:s16], $0x8000  }
0xf6: {  	[sflag:s16] =	ssyncset.done $0x0  }
0xf7: {  	s1 =	rddreg [dreg:$0x9];
	[sflag:s16] =	ssyncadd.s32 $0xFFFF8000  }
0xf8: {  	[hbm4b:s1+s2] =	stream.linear.scatter [tilespmem:s10], [sflag:$0x5], $0x8000, $0x38;
	[tilespmem:$0x18000] =	vst v63  }
0xf9: {  	s6 =	rddreg [dreg:$0xa]  }
0xfa: {  	[hbm4b:s6+s2] =	stream.linear.scatter [tilespmem:s10], [sflag:$0x5], $0x8000, $0x38;
	[tilespmem:$0x18000] =	vst v63  }
0xfb: {  	s1 =	rddreg [dreg:$0xb]  }
0xfc: {  	[hbm4b:s1+s2] =	stream.linear.scatter [tilespmem:s10], [sflag:$0x5], $0x8000, $0x38;
	[tilespmem:$0x18000] =	vst v63  }
0xfd: {  	s6 =	rddreg [dreg:$0xc]  }
0xfe: {  	[hbm4b:s6+s2] =	stream.linear.scatter [tilespmem:s10], [sflag:$0x5], $0x8000, $0x38;
	[tilespmem:$0x18000] =	vst v63  }
0xff: {  	_ =	swait.ge [sflag:s5], $0x8000  }
0x100: {  	[sflag:s5] =	ssyncset.done $0x0  }
0x101: {  	[sflag:s5] =	ssyncadd.s32 $0xFFFF8000  }
0x102: {  	_ =	swait.ge [sflag:s5], $0x8000  }
0x103: {  	[sflag:s5] =	ssyncset.done $0x0  }
0x104: {  	[sflag:s5] =	ssyncadd.s32 $0xFFFF8000  }
0x105: {  	_ =	swait.ge [sflag:s5], $0x8000  }
0x106: {  	[sflag:s5] =	ssyncset.done $0x0  }
0x107: {  	[sflag:s5] =	ssyncadd.s32 $0xFFFF8000  }
0x108: {  	_ =	swait.ge [sflag:s5], $0x8000  }
0x109: {  	[sflag:s5] =	ssyncset.done $0x0  }
0x10a: {  	s6 =	rddreg [dreg:$0xd];
	[sflag:s5] =	ssyncadd.s32 $0xFFFF8000  }
0x10b: {  	[tilespmem:s2], [sflag:$0x1] =	stream.linear.gather [hbm4b:s6+s2], $0x8000, $0x38;
	[tilespmem:$0x18000] =	vst v63  }
0x10c: {  	_ =	swait.ge [sflag:s30], $0x8000  }
0x10d: {  	[sflag:s30] =	ssyncset.done $0x0  }
0x10e: {  	s1 =	rddreg [dreg:$0xe];
	[sflag:s30] =	ssyncadd.s32 $0xFFFF8000  }
0x10f: {  	[hbm4b:s1+s2] =	stream.linear.scatter [tilespmem:s29], [sflag:$0x6], $0x8000, $0x38;
	[tilespmem:$0x18000] =	vst v63  }
0x110: {  	s6 =	rddreg [dreg:$0xf]  }
0x111: {  	[hbm4b:s6+s2] =	stream.linear.scatter [tilespmem:s29], [sflag:$0x6], $0x8000, $0x38;
	[tilespmem:$0x18000] =	vst v63  }
0x112: {  	s1 =	rddreg [dreg:$0x10]  }
0x113: {  	[hbm4b:s1+s2] =	stream.linear.scatter [tilespmem:s29], [sflag:$0x6], $0x8000, $0x38;
	[tilespmem:$0x18000] =	vst v63  }
0x114: {  	s6 =	rddreg [dreg:$0x11]  }
0x115: {  	[hbm4b:s6+s2] =	stream.linear.scatter [tilespmem:s29], [sflag:$0x6], $0x8000, $0x38;
	[tilespmem:$0x18000] =	vst v63  }
0x116: {  	_ =	swait.ge [sflag:s4], $0x8000  }
0x117: {  	[sflag:s4] =	ssyncset.done $0x0  }
0x118: {  	[sflag:s4] =	ssyncadd.s32 $0xFFFF8000  }
0x119: {  	_ =	swait.ge [sflag:s4], $0x8000  }
0x11a: {  	[sflag:s4] =	ssyncset.done $0x0  }
0x11b: {  	[sflag:s4] =	ssyncadd.s32 $0xFFFF8000  }
0x11c: {  	_ =	swait.ge [sflag:s4], $0x8000  }
0x11d: {  	[sflag:s4] =	ssyncset.done $0x0  }
0x11e: {  	[sflag:s4] =	ssyncadd.s32 $0xFFFF8000  }
0x11f: {  	_ =	swait.ge [sflag:s4], $0x8000  }
0x120: {  	[sflag:s4] =	ssyncset.done $0x0  }
0x121: {  	s6 =	rddreg [dreg:$0x12];
	[sflag:s4] =	ssyncadd.s32 $0xFFFF8000  }
0x122: {  	[tilespmem:s10], [sflag:$0x2] =	stream.linear.gather [hbm4b:s6+s2], $0x8000, $0x38;
	[tilespmem:$0x18000] =	vst v63  }
0x123: {  	_ =	swait.ge [sflag:s17], $0x8000  }
0x124: {  	[sflag:s17] =	ssyncset.done $0x0  }
0x125: {  	s1 =	rddreg [dreg:$0x13];
	[sflag:s17] =	ssyncadd.s32 $0xFFFF8000  }
0x126: {  	[hbm4b:s1+s2] =	stream.linear.scatter [tilespmem:s2], [sflag:$0x4], $0x8000, $0x38;
	[tilespmem:$0x18000] =	vst v63  }
0x127: {  	s6 =	rddreg [dreg:$0x14]  }
0x128: {  	[hbm4b:s6+s2] =	stream.linear.scatter [tilespmem:s2], [sflag:$0x4], $0x8000, $0x38;
	[tilespmem:$0x18000] =	vst v63  }
0x129: {  	s1 =	rddreg [dreg:$0x15]  }
0x12a: {  	[hbm4b:s1+s2] =	stream.linear.scatter [tilespmem:s2], [sflag:$0x4], $0x8000, $0x38;
	[tilespmem:$0x18000] =	vst v63  }
0x12b: {  	s6 =	rddreg [dreg:$0x16]  }
0x12c: {  	[hbm4b:s6+s2] =	stream.linear.scatter [tilespmem:s2], [sflag:$0x4], $0x8000, $0x38;
	[tilespmem:$0x18000] =	vst v63  }
0x12d: {  	_ =	swait.ge [sflag:s3], $0x8000  }
0x12e: {  	[sflag:s3] =	ssyncset.done $0x0  }
0x12f: {  	[sflag:s3] =	ssyncadd.s32 $0xFFFF8000  }
0x130: {  	_ =	swait.ge [sflag:s3], $0x8000  }
0x131: {  	[sflag:s3] =	ssyncset.done $0x0  }
0x132: {  	[sflag:s3] =	ssyncadd.s32 $0xFFFF8000  }
0x133: {  	_ =	swait.ge [sflag:s3], $0x8000  }
0x134: {  	s6 =	smov.u32 s7;
	[sflag:s3] =	ssyncset.done $0x0  }
0x135: {  	s7 =	smov.u32 s8;
	s8 =	smov.u32 s9;
	[sflag:s3] =	ssyncadd.s32 $0xFFFF8000  }
0x136: {  	s9 =	smov.u32 s11;
	s11 =	smov.u32 s12;
	_ =	swait.ge [sflag:s3], $0x8000  }
0x137: {  	s12 =	smov.u32 s13;
	s13 =	smov.u32 s14;
	[sflag:s3] =	ssyncset.done $0x0  }
0x138: {  	s14 =	smov.u32 s15;
	s15 =	smov.u32 s18;
	[sflag:s3] =	ssyncadd.s32 $0xFFFF8000  }
0x139: {  	[tilespmem:s29], [sflag:$0x3] =	stream.linear.gather [hbm4b:s31+s2], $0x8000, $0x38;
	[tilespmem:$0x18000] =	vst v63  }
0x13a: {  	s18 =	smov.u32 s19;
	s19 =	smov.u32 s20;
	_ =	swait.ge [sflag:s16], $0x8000  }
0x13b: {  	s20 =	smov.u32 s21;
	s21 =	smov.u32 s22;
	[sflag:s16] =	ssyncset.done $0x0  }
0x13c: {  	s22 =	smov.u32 s23;
	s23 =	smov.u32 s24;
	[sflag:s16] =	ssyncadd.s32 $0xFFFF8000  }
0x13d: {  	[hbm4b:s23+s2] =	stream.linear.scatter [tilespmem:s10], [sflag:$0x5], $0x8000, $0x38;
	[tilespmem:$0x18000] =	vst v63  }
0x13e: {  	s24 =	smov.u32 s25  }
0x13f: {  	[hbm4b:s24+s2] =	stream.linear.scatter [tilespmem:s10], [sflag:$0x5], $0x8000, $0x38;
	[tilespmem:$0x18000] =	vst v63  }
0x140: {  	s25 =	smov.u32 s26  }
0x141: {  	[hbm4b:s25+s2] =	stream.linear.scatter [tilespmem:s10], [sflag:$0x5], $0x8000, $0x38;
	[tilespmem:$0x18000] =	vst v63  }
0x142: {  	s26 =	smov.u32 s28  }
0x143: {  	[hbm4b:s26+s2] =	stream.linear.scatter [tilespmem:s10], [sflag:$0x5], $0x8000, $0x38;
	[tilespmem:$0x18000] =	vst v63  }
0x144: {  	_ =	swait.ge [sflag:s5], $0x8000  }
0x145: {  	[sflag:s5] =	ssyncset.done $0x0  }
0x146: {  	[sflag:s5] =	ssyncadd.s32 $0xFFFF8000  }
0x147: {  	_ =	swait.ge [sflag:s5], $0x8000  }
0x148: {  	[sflag:s5] =	ssyncset.done $0x0  }
0x149: {  	[sflag:s5] =	ssyncadd.s32 $0xFFFF8000  }
0x14a: {  	_ =	swait.ge [sflag:s5], $0x8000  }
0x14b: {  	[sflag:s5] =	ssyncset.done $0x0  }
0x14c: {  	[sflag:s5] =	ssyncadd.s32 $0xFFFF8000  }
0x14d: {  	_ =	swait.ge [sflag:s5], $0x8000  }
0x14e: {  	[sflag:s5] =	ssyncset.done $0x0  }
0x14f: {  	[sflag:s5] =	ssyncadd.s32 $0xFFFF8000  }
0x150: {  	[tilespmem:s2], [sflag:$0x1] =	stream.linear.gather [hbm4b:s22+s2], $0x8000, $0x38;
	[tilespmem:$0x18000] =	vst v63  }
0x151: {  	_ =	swait.ge [sflag:s30], $0x8000  }
0x152: {  	[sflag:s30] =	ssyncset.done $0x0  }
0x153: {  	[sflag:s30] =	ssyncadd.s32 $0xFFFF8000  }
0x154: {  	[hbm4b:s18+s2] =	stream.linear.scatter [tilespmem:s29], [sflag:$0x6], $0x8000, $0x38;
	[tilespmem:$0x18000] =	vst v63  }
0x155: {  	_ = 	snop  }
0x156: {  	[hbm4b:s19+s2] =	stream.linear.scatter [tilespmem:s29], [sflag:$0x6], $0x8000, $0x38;
	[tilespmem:$0x18000] =	vst v63  }
0x157: {  	_ = 	snop  }
0x158: {  	[hbm4b:s20+s2] =	stream.linear.scatter [tilespmem:s29], [sflag:$0x6], $0x8000, $0x38;
	[tilespmem:$0x18000] =	vst v63  }
0x159: {  	_ = 	snop  }
0x15a: {  	[hbm4b:s21+s2] =	stream.linear.scatter [tilespmem:s29], [sflag:$0x6], $0x8000, $0x38;
	[tilespmem:$0x18000] =	vst v63  }
0x15b: {  	_ =	swait.ge [sflag:s4], $0x8000  }
0x15c: {  	[sflag:s4] =	ssyncset.done $0x0  }
0x15d: {  	[sflag:s4] =	ssyncadd.s32 $0xFFFF8000  }
0x15e: {  	_ =	swait.ge [sflag:s4], $0x8000  }
0x15f: {  	[sflag:s4] =	ssyncset.done $0x0  }
0x160: {  	[sflag:s4] =	ssyncadd.s32 $0xFFFF8000  }
0x161: {  	_ =	swait.ge [sflag:s4], $0x8000  }
0x162: {  	[sflag:s4] =	ssyncset.done $0x0  }
0x163: {  	[sflag:s4] =	ssyncadd.s32 $0xFFFF8000  }
0x164: {  	_ =	swait.ge [sflag:s4], $0x8000  }
0x165: {  	[sflag:s4] =	ssyncset.done $0x0  }
0x166: {  	[sflag:s4] =	ssyncadd.s32 $0xFFFF8000  }
0x167: {  	[tilespmem:s10], [sflag:$0x2] =	stream.linear.gather [hbm4b:s15+s2], $0x8000, $0x38;
	[tilespmem:$0x18000] =	vst v63  }
0x168: {  	_ =	swait.ge [sflag:s17], $0x8000  }
0x169: {  	[sflag:s17] =	ssyncset.done $0x0  }
0x16a: {  	[sflag:s17] =	ssyncadd.s32 $0xFFFF8000  }
0x16b: {  	[hbm4b:s11+s2] =	stream.linear.scatter [tilespmem:s2], [sflag:$0x4], $0x8000, $0x38;
	[tilespmem:$0x18000] =	vst v63  }
0x16c: {  	_ = 	snop  }
0x16d: {  	[hbm4b:s12+s2] =	stream.linear.scatter [tilespmem:s2], [sflag:$0x4], $0x8000, $0x38;
	[tilespmem:$0x18000] =	vst v63  }
0x16e: {  	_ = 	snop  }
0x16f: {  	[hbm4b:s13+s2] =	stream.linear.scatter [tilespmem:s2], [sflag:$0x4], $0x8000, $0x38;
	[tilespmem:$0x18000] =	vst v63  }
0x170: {  	_ = 	snop  }
0x171: {  	[hbm4b:s14+s2] =	stream.linear.scatter [tilespmem:s2], [sflag:$0x4], $0x8000, $0x38;
	[tilespmem:$0x18000] =	vst v63  }
0x172: {  	_ =	swait.ge [sflag:s16], $0x8000  }
0x173: {  	[sflag:s16] =	ssyncset.done $0x0  }
0x174: {  	[sflag:s16] =	ssyncadd.s32 $0xFFFF8000  }
0x175: {  	[hbm4b:s6+s2] =	stream.linear.scatter [tilespmem:s10], [sflag:$0x5], $0x8000, $0x38;
	[tilespmem:$0x18000] =	vst v63  }
0x176: {  	_ = 	snop  }
0x177: {  	[hbm4b:s7+s2] =	stream.linear.scatter [tilespmem:s10], [sflag:$0x5], $0x8000, $0x38;
	[tilespmem:$0x18000] =	vst v63  }
0x178: {  	_ = 	snop  }
0x179: {  	[hbm4b:s8+s2] =	stream.linear.scatter [tilespmem:s10], [sflag:$0x5], $0x8000, $0x38;
	[tilespmem:$0x18000] =	vst v63  }
0x17a: {  	_ = 	snop  }
0x17b: {  	[hbm4b:s9+s2] =	stream.linear.scatter [tilespmem:s10], [sflag:$0x5], $0x8000, $0x38;
	[tilespmem:$0x18000] =	vst v63  }
0x17c: {  	_ =	swait.ge [sflag:s5], $0x8000  }
0x17d: {  	[sflag:s5] =	ssyncset.done $0x0  }
0x17e: {  	[sflag:s5] =	ssyncadd.s32 $0xFFFF8000  }
0x17f: {  	_ =	swait.ge [sflag:s5], $0x8000  }
0x180: {  	[sflag:s5] =	ssyncset.done $0x0  }
0x181: {  	[sflag:s5] =	ssyncadd.s32 $0xFFFF8000  }
0x182: {  	_ =	swait.ge [sflag:s5], $0x8000  }
0x183: {  	[sflag:s5] =	ssyncset.done $0x0  }
0x184: {  	[sflag:s5] =	ssyncadd.s32 $0xFFFF8000  }
0x185: {  	_ =	swait.ge [sflag:s5], $0x8000  }
0x186: {  	[sflag:s5] =	ssyncset.done $0x0  }
0x187: {  	[sflag:s5] =	ssyncadd.s32 $0xFFFF8000  }
0x188: {  	_ =	swait.ge [sflag:s4], $0x8000  }
0x189: {  	[sflag:s4] =	ssyncset.done $0x0  }
0x18a: {  	[sflag:s4] =	ssyncadd.s32 $0xFFFF8000  }
0x18b: {  	_ =	swait.ge [sflag:s4], $0x8000  }
0x18c: {  	[sflag:s4] =	ssyncset.done $0x0  }
0x18d: {  	[sflag:s4] =	ssyncadd.s32 $0xFFFF8000  }
0x18e: {  	_ =	swait.ge [sflag:s4], $0x8000  }
0x18f: {  	[sflag:s4] =	ssyncset.done $0x0  }
0x190: {  	[sflag:s4] =	ssyncadd.s32 $0xFFFF8000  }
0x191: {  	_ =	swait.ge [sflag:s4], $0x8000  }
0x192: {  	[sflag:s4] =	ssyncset.done $0x0  }
0x193: {  	[sflag:s4] =	ssyncadd.s32 $0xFFFF8000  }
0x194: {  	_ =	swait.ge [sflag:s3], $0x8000  }
0x195: {  	[sflag:s3] =	ssyncset.done $0x0  }
0x196: {  	[sflag:s3] =	ssyncadd.s32 $0xFFFF8000  }
0x197: {  	_ =	swait.ge [sflag:s3], $0x8000  }
0x198: {  	[sflag:s3] =	ssyncset.done $0x0  }
0x199: {  	p1 =	sne.s32 s0, $0x1;
	[sflag:s3] =	ssyncadd.s32 $0xFFFF8000  }
.Ltmp2:
0x19a: {  	_ =	swait.ge [sflag:s3], $0x8000;
	(pc) =	sbr.rel @p1 .LBB2_3-.Ltmp2, $4  }
0x19b: {  	[sflag:s3] =	ssyncset.done $0x0  }
0x19c: {  	[sflag:s3] =	ssyncadd.s32 $0xFFFF8000  }
0x19d: {  	s0 =	sadd.s32 $0xFFFFFFFF, s0;
	_ =	swait.ge [sflag:s3], $0x8000  }
0x19e: {  	s28 =	smov.u32 s31;
	s1 =	rddreg [dreg:$0x3];
	[sflag:s3] =	ssyncset.done $0x0  }
0x19f: {  	s31 =	rddreg [dreg:$0x17]  }
.LBB2_5:
0x1a0: {  	[sflag:s3] =	ssyncadd.s32 @p0 $0xFFFF8000  }
0x1a1: {  	[tilespmem:s2], [sflag:$0x1] =	stream.linear.gather [hbm4b:s1+s2], $0x8000, $0x38;
	[tilespmem:$0x18000] =	vst v63  }
0x1a2: {  	s0 =	rddreg [dreg:$0x4]  }
0x1a3: {  	[tilespmem:s10], [sflag:$0x2] =	stream.linear.gather [hbm4b:s0+s2], $0x8000, $0x38;
	[tilespmem:$0x18000] =	vst v63  }
0x1a4: {  	_ =	swait.ge [sflag:s17], $0x8000  }
0x1a5: {  	[sflag:s17] =	ssyncset.done $0x0  }
0x1a6: {  	[sflag:s17] =	ssyncadd.s32 $0xFFFF8000  }
0x1a7: {  	[hbm4b:s31+s2] =	stream.linear.scatter [tilespmem:s2], [sflag:$0x4], $0x8000, $0x38;
	[tilespmem:$0x18000] =	vst v63  }
0x1a8: {  	s1 =	rddreg [dreg:$0x5]  }
0x1a9: {  	[hbm4b:s1+s2] =	stream.linear.scatter [tilespmem:s2], [sflag:$0x4], $0x8000, $0x38;
	[tilespmem:$0x18000] =	vst v63  }
0x1aa: {  	s31 =	rddreg [dreg:$0x6]  }
0x1ab: {  	[hbm4b:s31+s2] =	stream.linear.scatter [tilespmem:s2], [sflag:$0x4], $0x8000, $0x38;
	[tilespmem:$0x18000] =	vst v63  }
0x1ac: {  	s0 =	rddreg [dreg:$0x7]  }
0x1ad: {  	[hbm4b:s0+s2] =	stream.linear.scatter [tilespmem:s2], [sflag:$0x4], $0x8000, $0x38;
	[tilespmem:$0x18000] =	vst v63  }
0x1ae: {  	s31 =	rddreg [dreg:$0x8]  }
0x1af: {  	[tilespmem:s29], [sflag:$0x3] =	stream.linear.gather [hbm4b:s31+s2], $0x8000, $0x38;
	[tilespmem:$0x18000] =	vst v63  }
0x1b0: {  	_ =	swait.ge [sflag:s16], $0x8000  }
0x1b1: {  	[sflag:s16] =	ssyncset.done $0x0  }
0x1b2: {  	s1 =	rddreg [dreg:$0x9];
	[sflag:s16] =	ssyncadd.s32 $0xFFFF8000  }
0x1b3: {  	[hbm4b:s1+s2] =	stream.linear.scatter [tilespmem:s10], [sflag:$0x5], $0x8000, $0x38;
	[tilespmem:$0x18000] =	vst v63  }
0x1b4: {  	s31 =	rddreg [dreg:$0xa]  }
0x1b5: {  	[hbm4b:s31+s2] =	stream.linear.scatter [tilespmem:s10], [sflag:$0x5], $0x8000, $0x38;
	[tilespmem:$0x18000] =	vst v63  }
0x1b6: {  	s0 =	rddreg [dreg:$0xb]  }
0x1b7: {  	[hbm4b:s0+s2] =	stream.linear.scatter [tilespmem:s10], [sflag:$0x5], $0x8000, $0x38;
	[tilespmem:$0x18000] =	vst v63  }
0x1b8: {  	s31 =	rddreg [dreg:$0xc]  }
0x1b9: {  	[hbm4b:s31+s2] =	stream.linear.scatter [tilespmem:s10], [sflag:$0x5], $0x8000, $0x38;
	[tilespmem:$0x18000] =	vst v63  }
0x1ba: {  	_ =	swait.ge [sflag:s5], $0x8000  }
0x1bb: {  	[sflag:s5] =	ssyncset.done $0x0  }
0x1bc: {  	[sflag:s5] =	ssyncadd.s32 $0xFFFF8000  }
0x1bd: {  	_ =	swait.ge [sflag:s5], $0x8000  }
0x1be: {  	[sflag:s5] =	ssyncset.done $0x0  }
0x1bf: {  	[sflag:s5] =	ssyncadd.s32 $0xFFFF8000  }
0x1c0: {  	_ =	swait.ge [sflag:s5], $0x8000  }
0x1c1: {  	[sflag:s5] =	ssyncset.done $0x0  }
0x1c2: {  	[sflag:s5] =	ssyncadd.s32 $0xFFFF8000  }
0x1c3: {  	_ =	swait.ge [sflag:s5], $0x8000  }
0x1c4: {  	[sflag:s5] =	ssyncset.done $0x0  }
0x1c5: {  	s31 =	rddreg [dreg:$0xd];
	[sflag:s5] =	ssyncadd.s32 $0xFFFF8000  }
0x1c6: {  	[tilespmem:s2], [sflag:$0x1] =	stream.linear.gather [hbm4b:s31+s2], $0x8000, $0x38;
	[tilespmem:$0x18000] =	vst v63  }
0x1c7: {  	_ =	swait.ge [sflag:s30], $0x8000  }
0x1c8: {  	[sflag:s30] =	ssyncset.done $0x0  }
0x1c9: {  	s1 =	rddreg [dreg:$0xe];
	[sflag:s30] =	ssyncadd.s32 $0xFFFF8000  }
0x1ca: {  	[hbm4b:s1+s2] =	stream.linear.scatter [tilespmem:s29], [sflag:$0x6], $0x8000, $0x38;
	[tilespmem:$0x18000] =	vst v63  }
0x1cb: {  	s31 =	rddreg [dreg:$0xf]  }
0x1cc: {  	[hbm4b:s31+s2] =	stream.linear.scatter [tilespmem:s29], [sflag:$0x6], $0x8000, $0x38;
	[tilespmem:$0x18000] =	vst v63  }
0x1cd: {  	s0 =	rddreg [dreg:$0x10]  }
0x1ce: {  	[hbm4b:s0+s2] =	stream.linear.scatter [tilespmem:s29], [sflag:$0x6], $0x8000, $0x38;
	[tilespmem:$0x18000] =	vst v63  }
0x1cf: {  	s31 =	rddreg [dreg:$0x11]  }
0x1d0: {  	[hbm4b:s31+s2] =	stream.linear.scatter [tilespmem:s29], [sflag:$0x6], $0x8000, $0x38;
	[tilespmem:$0x18000] =	vst v63  }
0x1d1: {  	_ =	swait.ge [sflag:s4], $0x8000  }
0x1d2: {  	[sflag:s4] =	ssyncset.done $0x0  }
0x1d3: {  	[sflag:s4] =	ssyncadd.s32 $0xFFFF8000  }
0x1d4: {  	_ =	swait.ge [sflag:s4], $0x8000  }
0x1d5: {  	[sflag:s4] =	ssyncset.done $0x0  }
0x1d6: {  	[sflag:s4] =	ssyncadd.s32 $0xFFFF8000  }
0x1d7: {  	_ =	swait.ge [sflag:s4], $0x8000  }
0x1d8: {  	[sflag:s4] =	ssyncset.done $0x0  }
0x1d9: {  	[sflag:s4] =	ssyncadd.s32 $0xFFFF8000  }
0x1da: {  	_ =	swait.ge [sflag:s4], $0x8000  }
0x1db: {  	[sflag:s4] =	ssyncset.done $0x0  }
0x1dc: {  	s31 =	rddreg [dreg:$0x12];
	[sflag:s4] =	ssyncadd.s32 $0xFFFF8000  }
0x1dd: {  	[tilespmem:s10], [sflag:$0x2] =	stream.linear.gather [hbm4b:s31+s2], $0x8000, $0x38;
	[tilespmem:$0x18000] =	vst v63  }
0x1de: {  	_ =	swait.ge [sflag:s17], $0x8000  }
0x1df: {  	[sflag:s17] =	ssyncset.done $0x0  }
0x1e0: {  	s1 =	rddreg [dreg:$0x13];
	[sflag:s17] =	ssyncadd.s32 $0xFFFF8000  }
0x1e1: {  	[hbm4b:s1+s2] =	stream.linear.scatter [tilespmem:s2], [sflag:$0x4], $0x8000, $0x38;
	[tilespmem:$0x18000] =	vst v63  }
0x1e2: {  	s31 =	rddreg [dreg:$0x14]  }
0x1e3: {  	[hbm4b:s31+s2] =	stream.linear.scatter [tilespmem:s2], [sflag:$0x4], $0x8000, $0x38;
	[tilespmem:$0x18000] =	vst v63  }
0x1e4: {  	s0 =	rddreg [dreg:$0x15]  }
0x1e5: {  	[hbm4b:s0+s2] =	stream.linear.scatter [tilespmem:s2], [sflag:$0x4], $0x8000, $0x38;
	[tilespmem:$0x18000] =	vst v63  }
0x1e6: {  	s31 =	rddreg [dreg:$0x16]  }
0x1e7: {  	[hbm4b:s31+s2] =	stream.linear.scatter [tilespmem:s2], [sflag:$0x4], $0x8000, $0x38;
	[tilespmem:$0x18000] =	vst v63  }
0x1e8: {  	_ =	swait.ge [sflag:s3], $0x8000  }
0x1e9: {  	[sflag:s3] =	ssyncset.done $0x0  }
0x1ea: {  	[sflag:s3] =	ssyncadd.s32 $0xFFFF8000  }
0x1eb: {  	_ =	swait.ge [sflag:s3], $0x8000  }
0x1ec: {  	[sflag:s3] =	ssyncset.done $0x0  }
0x1ed: {  	[sflag:s3] =	ssyncadd.s32 $0xFFFF8000  }
0x1ee: {  	_ =	swait.ge [sflag:s3], $0x8000  }
0x1ef: {  	[sflag:s3] =	ssyncset.done $0x0  }
0x1f0: {  	[sflag:s3] =	ssyncadd.s32 $0xFFFF8000  }
0x1f1: {  	_ =	swait.ge [sflag:s3], $0x8000  }
0x1f2: {  	[sflag:s3] =	ssyncset.done $0x0  }
0x1f3: {  	[sflag:s3] =	ssyncadd.s32 $0xFFFF8000  }
0x1f4: {  	[tilespmem:s29], [sflag:$0x3] =	stream.linear.gather [hbm4b:s28+s2], $0x8000, $0x38;
	[tilespmem:$0x18000] =	vst v63  }
0x1f5: {  	_ =	swait.ge [sflag:s16], $0x8000  }
0x1f6: {  	[sflag:s16] =	ssyncset.done $0x0  }
0x1f7: {  	[sflag:s16] =	ssyncadd.s32 $0xFFFF8000  }
0x1f8: {  	[hbm4b:s23+s2] =	stream.linear.scatter [tilespmem:s10], [sflag:$0x5], $0x8000, $0x38;
	[tilespmem:$0x18000] =	vst v63  }
0x1f9: {  	_ = 	snop  }
0x1fa: {  	[hbm4b:s24+s2] =	stream.linear.scatter [tilespmem:s10], [sflag:$0x5], $0x8000, $0x38;
	[tilespmem:$0x18000] =	vst v63  }
0x1fb: {  	_ = 	snop  }
0x1fc: {  	[hbm4b:s25+s2] =	stream.linear.scatter [tilespmem:s10], [sflag:$0x5], $0x8000, $0x38;
	[tilespmem:$0x18000] =	vst v63  }
0x1fd: {  	_ = 	snop  }
0x1fe: {  	[hbm4b:s26+s2] =	stream.linear.scatter [tilespmem:s10], [sflag:$0x5], $0x8000, $0x38;
	[tilespmem:$0x18000] =	vst v63  }
0x1ff: {  	_ =	swait.ge [sflag:s5], $0x8000  }
0x200: {  	[sflag:s5] =	ssyncset.done $0x0  }
0x201: {  	[sflag:s5] =	ssyncadd.s32 $0xFFFF8000  }
0x202: {  	_ =	swait.ge [sflag:s5], $0x8000  }
0x203: {  	[sflag:s5] =	ssyncset.done $0x0  }
0x204: {  	[sflag:s5] =	ssyncadd.s32 $0xFFFF8000  }
0x205: {  	_ =	swait.ge [sflag:s5], $0x8000  }
0x206: {  	[sflag:s5] =	ssyncset.done $0x0  }
0x207: {  	[sflag:s5] =	ssyncadd.s32 $0xFFFF8000  }
0x208: {  	_ =	swait.ge [sflag:s5], $0x8000  }
0x209: {  	[sflag:s5] =	ssyncset.done $0x0  }
0x20a: {  	[sflag:s5] =	ssyncadd.s32 $0xFFFF8000  }
0x20b: {  	[tilespmem:s2], [sflag:$0x1] =	stream.linear.gather [hbm4b:s22+s2], $0x8000, $0x38;
	[tilespmem:$0x18000] =	vst v63  }
0x20c: {  	_ =	swait.ge [sflag:s30], $0x8000  }
0x20d: {  	[sflag:s30] =	ssyncset.done $0x0  }
0x20e: {  	[sflag:s30] =	ssyncadd.s32 $0xFFFF8000  }
0x20f: {  	[hbm4b:s18+s2] =	stream.linear.scatter [tilespmem:s29], [sflag:$0x6], $0x8000, $0x38;
	[tilespmem:$0x18000] =	vst v63  }
0x210: {  	_ = 	snop  }
0x211: {  	[hbm4b:s19+s2] =	stream.linear.scatter [tilespmem:s29], [sflag:$0x6], $0x8000, $0x38;
	[tilespmem:$0x18000] =	vst v63  }
0x212: {  	_ = 	snop  }
0x213: {  	[hbm4b:s20+s2] =	stream.linear.scatter [tilespmem:s29], [sflag:$0x6], $0x8000, $0x38;
	[tilespmem:$0x18000] =	vst v63  }
0x214: {  	_ = 	snop  }
0x215: {  	[hbm4b:s21+s2] =	stream.linear.scatter [tilespmem:s29], [sflag:$0x6], $0x8000, $0x38;
	[tilespmem:$0x18000] =	vst v63  }
0x216: {  	_ =	swait.ge [sflag:s4], $0x8000  }
0x217: {  	[sflag:s4] =	ssyncset.done $0x0  }
0x218: {  	[sflag:s4] =	ssyncadd.s32 $0xFFFF8000  }
0x219: {  	_ =	swait.ge [sflag:s4], $0x8000  }
0x21a: {  	[sflag:s4] =	ssyncset.done $0x0  }
0x21b: {  	[sflag:s4] =	ssyncadd.s32 $0xFFFF8000  }
0x21c: {  	_ =	swait.ge [sflag:s4], $0x8000  }
0x21d: {  	[sflag:s4] =	ssyncset.done $0x0  }
0x21e: {  	[sflag:s4] =	ssyncadd.s32 $0xFFFF8000  }
0x21f: {  	_ =	swait.ge [sflag:s4], $0x8000  }
0x220: {  	[sflag:s4] =	ssyncset.done $0x0  }
0x221: {  	[sflag:s4] =	ssyncadd.s32 $0xFFFF8000  }
0x222: {  	[tilespmem:s10], [sflag:$0x2] =	stream.linear.gather [hbm4b:s15+s2], $0x8000, $0x38;
	[tilespmem:$0x18000] =	vst v63  }
0x223: {  	_ =	swait.ge [sflag:s17], $0x8000  }
0x224: {  	[sflag:s17] =	ssyncset.done $0x0  }
0x225: {  	[sflag:s17] =	ssyncadd.s32 $0xFFFF8000  }
0x226: {  	[hbm4b:s11+s2] =	stream.linear.scatter [tilespmem:s2], [sflag:$0x4], $0x8000, $0x38;
	[tilespmem:$0x18000] =	vst v63  }
0x227: {  	_ = 	snop  }
0x228: {  	[hbm4b:s12+s2] =	stream.linear.scatter [tilespmem:s2], [sflag:$0x4], $0x8000, $0x38;
	[tilespmem:$0x18000] =	vst v63  }
0x229: {  	_ = 	snop  }
0x22a: {  	[hbm4b:s13+s2] =	stream.linear.scatter [tilespmem:s2], [sflag:$0x4], $0x8000, $0x38;
	[tilespmem:$0x18000] =	vst v63  }
0x22b: {  	_ = 	snop  }
0x22c: {  	[hbm4b:s14+s2] =	stream.linear.scatter [tilespmem:s2], [sflag:$0x4], $0x8000, $0x38;
	[tilespmem:$0x18000] =	vst v63  }
0x22d: {  	_ =	swait.ge [sflag:s16], $0x8000  }
0x22e: {  	[sflag:s16] =	ssyncset.done $0x0  }
0x22f: {  	[sflag:s16] =	ssyncadd.s32 $0xFFFF8000  }
0x230: {  	[hbm4b:s6+s2] =	stream.linear.scatter [tilespmem:s10], [sflag:$0x5], $0x8000, $0x38;
	[tilespmem:$0x18000] =	vst v63  }
0x231: {  	_ = 	snop  }
0x232: {  	[hbm4b:s7+s2] =	stream.linear.scatter [tilespmem:s10], [sflag:$0x5], $0x8000, $0x38;
	[tilespmem:$0x18000] =	vst v63  }
0x233: {  	_ = 	snop  }
0x234: {  	[hbm4b:s8+s2] =	stream.linear.scatter [tilespmem:s10], [sflag:$0x5], $0x8000, $0x38;
	[tilespmem:$0x18000] =	vst v63  }
0x235: {  	_ = 	snop  }
0x236: {  	[hbm4b:s9+s2] =	stream.linear.scatter [tilespmem:s10], [sflag:$0x5], $0x8000, $0x38;
	[tilespmem:$0x18000] =	vst v63  }
0x237: {  	_ =	swait.ge [sflag:s5], $0x8000  }
0x238: {  	[sflag:s5] =	ssyncset.done $0x0  }
0x239: {  	[sflag:s5] =	ssyncadd.s32 $0xFFFF8000  }
0x23a: {  	_ =	swait.ge [sflag:s5], $0x8000  }
0x23b: {  	[sflag:s5] =	ssyncset.done $0x0  }
0x23c: {  	[sflag:s5] =	ssyncadd.s32 $0xFFFF8000  }
0x23d: {  	_ =	swait.ge [sflag:s5], $0x8000  }
0x23e: {  	[sflag:s5] =	ssyncset.done $0x0  }
0x23f: {  	[sflag:s5] =	ssyncadd.s32 $0xFFFF8000  }
0x240: {  	_ =	swait.ge [sflag:s5], $0x8000  }
0x241: {  	[sflag:s5] =	ssyncset.done $0x0  }
0x242: {  	[sflag:s5] =	ssyncadd.s32 $0xFFFF8000  }
0x243: {  	_ =	swait.ge [sflag:s4], $0x8000  }
0x244: {  	[sflag:s4] =	ssyncset.done $0x0  }
0x245: {  	[sflag:s4] =	ssyncadd.s32 $0xFFFF8000  }
0x246: {  	_ =	swait.ge [sflag:s4], $0x8000  }
0x247: {  	[sflag:s4] =	ssyncset.done $0x0  }
0x248: {  	[sflag:s4] =	ssyncadd.s32 $0xFFFF8000  }
0x249: {  	_ =	swait.ge [sflag:s4], $0x8000  }
0x24a: {  	[sflag:s4] =	ssyncset.done $0x0  }
0x24b: {  	[sflag:s4] =	ssyncadd.s32 $0xFFFF8000  }
0x24c: {  	_ =	swait.ge [sflag:s4], $0x8000  }
0x24d: {  	[sflag:s4] =	ssyncset.done $0x0  }
0x24e: {  	[sflag:s4] =	ssyncadd.s32 $0xFFFF8000  }
0x24f: {  	_ =	swait.ge [sflag:s3], $0x8000  }
0x250: {  	[sflag:s3] =	ssyncset.done $0x0  }
0x251: {  	[sflag:s3] =	ssyncadd.s32 $0xFFFF8000  }
0x252: {  	_ =	swait.ge [sflag:s3], $0x8000  }
0x253: {  	[sflag:s3] =	ssyncset.done $0x0  }
0x254: {  	[sflag:s3] =	ssyncadd.s32 $0xFFFF8000  }
0x255: {  	_ =	swait.ge [sflag:s3], $0x8000  }
0x256: {  	[sflag:s3] =	ssyncset.done $0x0  }
0x257: {  	[sflag:s3] =	ssyncadd.s32 $0xFFFF8000  }
0x258: {  	_ =	swait.ge [sflag:s3], $0x8000  }
0x259: {  	[sflag:s3] =	ssyncset.done $0x0  }
0x25a: {  	[sflag:s3] =	ssyncadd.s32 $0xFFFF8000  }
0x25b: {  	_ =	sfence.sel $0x180000  }
0x25c: {  	[bflag:$0x0] =	sbarrier.arrive $0xFFFF  }
0x25d: {  	_ =	strace $0x90000047  }
0x25e: {  	s31 =	stileid.u32;
	[bflag:$0x2] =	sbarrier.arrive $0xFFFF  }
0x25f: {  	p0 =	sne.s32 s31, $0x0;
	s0 =	rddreg [dreg:$0x2]  }
0x260: {  	s0 =	sadd.s32 @!p0 $0x100000, s0  }
0x261: {  	[sflag:s0] =	ssyncadd.tile.s32 @!p0 $0x1;
	_ =	shalt  }
.LBB2_2:
.Ltmp3:
0x262: {  	(pc) =	sbr.rel .LBB2_5-.Ltmp3, $2  }
0x263: {  	_ =	sdelay $0x2  }
0x264: {  	s31 =	rddreg [dreg:$0x17]  }
.Lfunc_end2:
_tile_overlayer_lowered:
.L_overlay_start_2:
0x265: {  	(tag) =	ssettag $0x2  }
0x266: {  	s0 =	rddreg [dreg:$0x0];
	s2 =	stileid.u32  }
0x267: {  	s1 =	rddreg [dreg:$0x1];
	p0 =	sne.s32 s2, $0x0  }
0x268: {  	s3 =	rddreg [dreg:$0x2];
	[bflag:$0x3] =	sbarrier.arrive $0xFFFF;
	s2 =	simm.s32 @!p0 $0x1C07  }
0x269: {  	[timem:s3], [sflag:s2] =	dma.local @!p0 [hbm:s0], s1  }
0x26a: {  	s0 =	simm.s32 @!p0 $0x7  }
0x26b: {  	_ =	swait.ge @!p0 [sflag:s0], s1  }
0x26c: {  	s1 =	ssub.s32 @!p0 $0x0, s1;
	[sflag:s0] =	ssyncset.done @!p0 $0x0  }
0x26d: {  	[sflag:s0] =	ssyncadd.s32 @!p0 s1  }
0x26e: {  	[bflag:$0x3] =	sbarrier.arrive $0xFFFF  }
0x26f: {  	_ =	shalt  }

</sc_bundles>
